<compile_context>
chip_gen: v7x
topology: tpu7x:2x2x1
jax: 0.10.2.dev20260603
libtpu: 0.0.44.dev20260713+nightly
codegen_flags: <defaults>
</compile_context>

<pallas_src>
import jax
import jax.numpy as jnp
from jax import lax
from jax.experimental import pallas as pl
from jax.experimental.pallas import tpu as pltpu
from jax.experimental.pallas import tpu_sc as plsc

_NC = 2
_NS = 16
_NW = _NC * _NS
_K = 4
_NBUF = 3


def _gather_body(table_hbm, idx_hbm, out_hbm, idx_v, rows0, rows1, rows2,
                 g0, g1, g2):
    wid = lax.axis_index("s") * _NC + lax.axis_index("c")
    nchunk = idx_hbm.shape[1]
    n_seq = out_hbm.shape[1]
    w_per_b = n_seq // (nchunk * _K)
    pltpu.sync_copy(idx_hbm.at[wid], idx_v)
    rows = (rows0, rows1, rows2)
    gsems = (g0, g1, g2)
    bb = wid // w_per_b
    seq0 = (wid % w_per_b) * (nchunk * _K)

    def out_slice(chunk):
        return out_hbm.at[bb, pl.ds(seq0 + chunk * _K, _K)]

    for b in range(2):
        pltpu.async_copy(table_hbm.at[idx_v.at[b]], rows[b], gsems[b])

    n_main = ((nchunk - 1) // _NBUF) * _NBUF

    @pl.loop(0, n_main, step=_NBUF)
    def _(p):
        for b in range(_NBUF):
            i = p + b
            pltpu.make_async_copy(table_hbm.at[idx_v.at[i]], rows[b], gsems[b]).wait()
            nxt = i + 2
            bn = (b + 2) % _NBUF

            @pl.when(nxt < nchunk)
            def _():
                pltpu.async_copy(table_hbm.at[idx_v.at[nxt]], rows[bn], gsems[bn])

            pltpu.sync_copy(rows[b], out_slice(i))

    for t in range(nchunk - n_main):
        j = n_main + t
        bt = j % _NBUF
        pltpu.make_async_copy(table_hbm.at[idx_v.at[j]], rows[bt], gsems[bt]).wait()
        pltpu.sync_copy(rows[bt], out_slice(j))


def kernel(idx, table):
    b, s = idx.shape
    vocab, d = table.shape
    n_tok = b * s
    nchunk = n_tok // (_NW * _K)
    flat = idx.reshape(-1).astype(jnp.int32)
    perm = jnp.argsort(flat)
    flat = jnp.take(flat, perm)[jnp.argsort(perm)]
    idx3 = flat.reshape(_NW, nchunk, _K)
    mesh = plsc.VectorSubcoreMesh(core_axis_name="c", subcore_axis_name="s")
    run = pl.kernel(
        _gather_body,
        out_type=jax.ShapeDtypeStruct((b, s, d), jnp.float32),
        mesh=mesh,
        scratch_types=[
            pltpu.VMEM((nchunk, _K), jnp.int32),
        ]
        + [pltpu.VMEM((_K, d), jnp.float32)] * _NBUF
        + [pltpu.SemaphoreType.DMA] * _NBUF,
    )
    return run(table, idx3)

# --- scband reference (transcript-rebuilt; emitter-appended) ---
"""Pipeline reference for scband-bigram-10093173146011 (READ-ONLY COPY).

The authoritative reference and input builder live on the scoring server;
editing this copy changes nothing except your own understanding.
"""

import jax, jax.numpy as jnp
import numpy as np

VOCAB = 8192
BATCH = 4
SEQ = 2048

def setup_inputs(seed: int = 0) -> dict:
    key = jax.random.key(seed)
    k_idx, k_tab = jax.random.split(key)
    idx = jax.random.randint(k_idx, (BATCH, SEQ), 0, VOCAB, dtype=jnp.int64 if jax.config.jax_enable_x64 else jnp.int32)
    table = jax.random.normal(k_tab, (VOCAB, VOCAB), dtype=jnp.float32)
    return {"idx": idx, "table": table}

def reference(idx, table):
    # Bigram.forward with targets=None: logits = self.embedding(idx)
    logits = jnp.take(table, idx, axis=0)  # [B, S, VOCAB]
    return logits

if __name__ == "__main__":
    import jax
    _d = setup_inputs()
    print(jax.jit(kernel)(*tuple(_d.values())))

</pallas_src>

<mosaic_0001>
#map = affine_map<(d0, d1) -> (0, 0)>
#map1 = affine_map<(d0, d1) -> (0, 0, 0)>
module attributes {stable_mosaic.version = 14 : i64} {
  func.func @_gather_body(%arg0: i32, %arg1: i32, %arg2: memref<8192x8192xf32, #tpu.memory_space<hbm>>, %arg3: memref<32x64x4xi32, #tpu.memory_space<hbm>>, %arg4: memref<4x2048x8192xf32, #tpu.memory_space<hbm>>, %arg5: memref<64x4xi32, #tpu.memory_space<vmem>>, %arg6: memref<4x8192xf32, #tpu.memory_space<vmem>>, %arg7: memref<4x8192xf32, #tpu.memory_space<vmem>>, %arg8: memref<4x8192xf32, #tpu.memory_space<vmem>>, %arg9: memref<!tpu.dma_semaphore, #tpu.memory_space<semaphore_mem>>, %arg10: memref<!tpu.dma_semaphore, #tpu.memory_space<semaphore_mem>>, %arg11: memref<!tpu.dma_semaphore, #tpu.memory_space<semaphore_mem>>) attributes {dimension_semantics = [#tpu.dimension_semantics<core_parallel>, #tpu.dimension_semantics<subcore_parallel>], iteration_bounds = array<i64: 2, 16>, scalar_prefetch = 0 : i64, scratch_operands = 7 : i64, tpu.core_type = #tpu.core_type<sc_vector_subcore>, window_params = [{transform_indices = #map}, {transform_indices = #map1}, {transform_indices = #map1}]} {
    %mul3A = arith.constant 2 : i32
    %mul3A_0 = arith.muli %arg1, %mul3A : i32
    %add3A = arith.addi %mul3A_0, %arg0 : i32
    "tpu.region"() ({
      %run_scoped3A = tpu.sem_alloc : memref<!tpu.dma_semaphore, #tpu.memory_space<semaphore_mem>>
      %dma_start3A_58 = arith.constant 0 : i32
      %dma_start3A_59 = arith.constant 0 : i32
      %dma_start3A_60 = tpu.memref_slice %arg3[%add3A, %dma_start3A_58, %dma_start3A_59] : memref<32x64x4xi32, #tpu.memory_space<hbm>> -> memref<1x64x4xi32, #tpu.memory_space<hbm>>
      %dma_start3A_61 = tpu.memref_squeeze %dma_start3A_60 : memref<1x64x4xi32, #tpu.memory_space<hbm>> -> memref<64x4xi32, #tpu.memory_space<hbm>>
      %dma_start3A_62 = arith.constant 0 : i32
      %dma_start3A_63 = arith.constant 0 : i32
      %dma_start3A_64 = tpu.memref_slice %arg3[%add3A, %dma_start3A_62, %dma_start3A_63] : memref<32x64x4xi32, #tpu.memory_space<hbm>> -> memref<1x64x4xi32, #tpu.memory_space<hbm>>
      %dma_start3A_65 = tpu.memref_squeeze %dma_start3A_64 : memref<1x64x4xi32, #tpu.memory_space<hbm>> -> memref<64x4xi32, #tpu.memory_space<hbm>>
      tpu.enqueue_dma source(%dma_start3A_65 : memref<64x4xi32, #tpu.memory_space<hbm>>) target(%arg5 : memref<64x4xi32, #tpu.memory_space<vmem>>) target_semaphore(%run_scoped3A : memref<!tpu.dma_semaphore, #tpu.memory_space<semaphore_mem>>)
      %dma_wait3A_66 = arith.constant 0 : i32
      %dma_wait3A_67 = arith.constant 0 : i32
      %dma_wait3A_68 = tpu.memref_slice %arg3[%add3A, %dma_wait3A_66, %dma_wait3A_67] : memref<32x64x4xi32, #tpu.memory_space<hbm>> -> memref<1x64x4xi32, #tpu.memory_space<hbm>>
      %dma_wait3A_69 = tpu.memref_squeeze %dma_wait3A_68 : memref<1x64x4xi32, #tpu.memory_space<hbm>> -> memref<64x4xi32, #tpu.memory_space<hbm>>
      %dma_wait3A_70 = arith.constant 0 : i32
      %dma_wait3A_71 = arith.constant 0 : i32
      %dma_wait3A_72 = tpu.memref_slice %arg3[%add3A, %dma_wait3A_70, %dma_wait3A_71] : memref<32x64x4xi32, #tpu.memory_space<hbm>> -> memref<1x64x4xi32, #tpu.memory_space<hbm>>
      %dma_wait3A_73 = tpu.memref_squeeze %dma_wait3A_72 : memref<1x64x4xi32, #tpu.memory_space<hbm>> -> memref<64x4xi32, #tpu.memory_space<hbm>>
      tpu.wait_dma2 semaphore(%run_scoped3A : memref<!tpu.dma_semaphore, #tpu.memory_space<semaphore_mem>>) src(%dma_wait3A_73 : memref<64x4xi32, #tpu.memory_space<hbm>>) dst(%arg5 : memref<64x4xi32, #tpu.memory_space<vmem>>)
      tpu.yield
    }) : () -> ()
    %jit3A = arith.constant 8 : i32
    %div3A = arith.divsi %add3A, %jit3A : i32
    %sign3A = arith.constant 0 : i32
    %sign3A_1 = arith.cmpi sgt, %add3A, %sign3A : i32
    %sign3A_2 = arith.extui %sign3A_1 : i1 to i32
    %sign3A_3 = arith.constant 0 : i32
    %sign3A_4 = arith.cmpi slt, %add3A, %sign3A_3 : i32
    %sign3A_5 = arith.extui %sign3A_4 : i1 to i32
    %sign3A_6 = arith.subi %sign3A_2, %sign3A_5 : i32
    %sign3A_7 = arith.constant 0 : i32
    %sign3A_8 = arith.cmpi sgt, %jit3A, %sign3A_7 : i32
    %sign3A_9 = arith.extui %sign3A_8 : i1 to i32
    %sign3A_10 = arith.constant 0 : i32
    %sign3A_11 = arith.cmpi slt, %jit3A, %sign3A_10 : i32
    %sign3A_12 = arith.extui %sign3A_11 : i1 to i32
    %sign3A_13 = arith.subi %sign3A_9, %sign3A_12 : i32
    %ne3A = arith.cmpi ne, %sign3A_6, %sign3A_13 : i32
    %rem3A = arith.remsi %add3A, %jit3A : i32
    %ne3A_14 = arith.constant 0 : i32
    %ne3A_15 = arith.cmpi ne, %rem3A, %ne3A_14 : i32
    %and3A = arith.andi %ne3A, %ne3A_15 : i1
    %sub3A = arith.constant 1 : i32
    %sub3A_16 = arith.subi %div3A, %sub3A : i32
    %select_n3A = arith.select %and3A, %sub3A_16, %div3A : i32
    %jit3A_17 = arith.constant 8 : i32
    %eq3A = arith.constant 0 : i32
    %eq3A_18 = arith.cmpi eq, %jit3A_17, %eq3A : i32
    %jit3A_19 = arith.constant 1 : i32
    %select_n3A_20 = arith.select %eq3A_18, %jit3A_19, %jit3A_17 : i32
    %rem3A_21 = arith.remsi %add3A, %select_n3A_20 : i32
    %ne3A_22 = arith.constant 0 : i32
    %ne3A_23 = arith.cmpi ne, %rem3A_21, %ne3A_22 : i32
    %lt3A = arith.constant 0 : i32
    %lt3A_24 = arith.cmpi slt, %rem3A_21, %lt3A : i32
    %lt3A_25 = arith.constant 0 : i32
    %lt3A_26 = arith.cmpi slt, %select_n3A_20, %lt3A_25 : i32
    %ne3A_27 = arith.xori %lt3A_24, %lt3A_26 : i1
    %and3A_28 = arith.andi %ne3A_27, %ne3A_23 : i1
    %add3A_29 = arith.addi %rem3A_21, %select_n3A_20 : i32
    %select_n3A_30 = arith.select %and3A_28, %add3A_29, %rem3A_21 : i32
    %mul3A_31 = arith.constant 256 : i32
    %mul3A_32 = arith.muli %select_n3A_30, %mul3A_31 : i32
    %dma_start3A = arith.constant 0 : i32
    %dma_start3A_33 = arith.constant 0 : i32
    %dma_start3A_34 = tpu.memref_slice %arg5[%dma_start3A, %dma_start3A_33] : memref<64x4xi32, #tpu.memory_space<vmem>> -> memref<1x4xi32, #tpu.memory_space<vmem>>
    %dma_start3A_35 = tpu.memref_squeeze %dma_start3A_34 : memref<1x4xi32, #tpu.memory_space<vmem>> -> memref<4xi32, #tpu.memory_space<vmem>>
    %dma_start3A_36 = arith.constant 0 : i32
    %dma_start3A_37 = arith.constant 0 : i32
    %dma_start3A_38 = tpu.memref_slice %arg2[%dma_start3A_36, %dma_start3A_37] : memref<8192x8192xf32, #tpu.memory_space<hbm>> -> memref<8192x8192xf32, #tpu.memory_space<hbm>>
    tpu.enqueue_indirect_dma source(%dma_start3A_38 : memref<8192x8192xf32, #tpu.memory_space<hbm>>) target(%arg6 : memref<4x8192xf32, #tpu.memory_space<vmem>>) offsets(%dma_start3A_35 : memref<4xi32, #tpu.memory_space<vmem>>) semaphore(%arg9 : memref<!tpu.dma_semaphore, #tpu.memory_space<semaphore_mem>>)
    %dma_start3A_39 = arith.constant 1 : i32
    %dma_start3A_40 = arith.constant 0 : i32
    %dma_start3A_41 = tpu.memref_slice %arg5[%dma_start3A_39, %dma_start3A_40] : memref<64x4xi32, #tpu.memory_space<vmem>> -> memref<1x4xi32, #tpu.memory_space<vmem>>
    %dma_start3A_42 = tpu.memref_squeeze %dma_start3A_41 : memref<1x4xi32, #tpu.memory_space<vmem>> -> memref<4xi32, #tpu.memory_space<vmem>>
    %dma_start3A_43 = arith.constant 0 : i32
    %dma_start3A_44 = arith.constant 0 : i32
    %dma_start3A_45 = tpu.memref_slice %arg2[%dma_start3A_43, %dma_start3A_44] : memref<8192x8192xf32, #tpu.memory_space<hbm>> -> memref<8192x8192xf32, #tpu.memory_space<hbm>>
    tpu.enqueue_indirect_dma source(%dma_start3A_45 : memref<8192x8192xf32, #tpu.memory_space<hbm>>) target(%arg7 : memref<4x8192xf32, #tpu.memory_space<vmem>>) offsets(%dma_start3A_42 : memref<4xi32, #tpu.memory_space<vmem>>) semaphore(%arg10 : memref<!tpu.dma_semaphore, #tpu.memory_space<semaphore_mem>>)
    %scan3A = arith.constant 0 : i32
    %scan3A_46 = arith.constant 21 : i32
    %scan3A_47 = arith.addi %scan3A, %scan3A_46 : i32
    %scan3A_48 = arith.constant 1 : i32
    scf.for %scan3A_58 = %scan3A to %scan3A_47 step %scan3A_48  : i32 {
      %mul3A_59 = arith.constant 3 : i32
      %mul3A_60 = arith.muli %scan3A_58, %mul3A_59 : i32
      %add3A_61 = arith.constant 0 : i32
      %add3A_62 = arith.addi %add3A_61, %mul3A_60 : i32
      %add3A_63 = arith.constant 0 : i32
      %add3A_64 = arith.addi %add3A_62, %add3A_63 : i32
      %dma_wait3A_65 = arith.constant 0 : i32
      %dma_wait3A_66 = tpu.memref_slice %arg5[%add3A_64, %dma_wait3A_65] : memref<64x4xi32, #tpu.memory_space<vmem>> -> memref<1x4xi32, #tpu.memory_space<vmem>>
      %dma_wait3A_67 = tpu.memref_squeeze %dma_wait3A_66 : memref<1x4xi32, #tpu.memory_space<vmem>> -> memref<4xi32, #tpu.memory_space<vmem>>
      %dma_wait3A_68 = arith.constant 0 : i32
      %dma_wait3A_69 = arith.constant 0 : i32
      %dma_wait3A_70 = tpu.memref_slice %arg2[%dma_wait3A_68, %dma_wait3A_69] : memref<8192x8192xf32, #tpu.memory_space<hbm>> -> memref<8192x8192xf32, #tpu.memory_space<hbm>>
      tpu.wait_indirect_dma semaphore(%arg9 : memref<!tpu.dma_semaphore, #tpu.memory_space<semaphore_mem>>) src(%dma_wait3A_70 : memref<8192x8192xf32, #tpu.memory_space<hbm>>) dst(%arg6 : memref<4x8192xf32, #tpu.memory_space<vmem>>)
      %add3A_71 = arith.constant 2 : i32
      %add3A_72 = arith.addi %add3A_64, %add3A_71 : i32
      %lt3A_73 = arith.constant 64 : i32
      %lt3A_74 = arith.cmpi slt, %add3A_72, %lt3A_73 : i32
      %convert_element_type3A = arith.extui %lt3A_74 : i1 to i32
      %cond3A = arith.constant 0 : i32
      %cond3A_75 = arith.cmpi ne, %convert_element_type3A, %cond3A : i32
      scf.if %cond3A_75 {
        %dma_start3A_115 = arith.constant 0 : i32
        %dma_start3A_116 = tpu.memref_slice %arg5[%add3A_72, %dma_start3A_115] : memref<64x4xi32, #tpu.memory_space<vmem>> -> memref<1x4xi32, #tpu.memory_space<vmem>>
        %dma_start3A_117 = tpu.memref_squeeze %dma_start3A_116 : memref<1x4xi32, #tpu.memory_space<vmem>> -> memref<4xi32, #tpu.memory_space<vmem>>
        %dma_start3A_118 = arith.constant 0 : i32
        %dma_start3A_119 = arith.constant 0 : i32
        %dma_start3A_120 = tpu.memref_slice %arg2[%dma_start3A_118, %dma_start3A_119] : memref<8192x8192xf32, #tpu.memory_space<hbm>> -> memref<8192x8192xf32, #tpu.memory_space<hbm>>
        tpu.enqueue_indirect_dma source(%dma_start3A_120 : memref<8192x8192xf32, #tpu.memory_space<hbm>>) target(%arg8 : memref<4x8192xf32, #tpu.memory_space<vmem>>) offsets(%dma_start3A_117 : memref<4xi32, #tpu.memory_space<vmem>>) semaphore(%arg11 : memref<!tpu.dma_semaphore, #tpu.memory_space<semaphore_mem>>)
      } else {
      }
      %mul3A_76 = arith.constant 4 : i32
      %mul3A_77 = arith.muli %add3A_64, %mul3A_76 : i32
      %add3A_78 = arith.addi %mul3A_32, %mul3A_77 : i32
      "tpu.region"() ({
        %run_scoped3A = tpu.sem_alloc : memref<!tpu.dma_semaphore, #tpu.memory_space<semaphore_mem>>
        %dma_start3A_115 = arith.constant 0 : i32
        %dma_start3A_116 = tpu.memref_slice %arg4[%select_n3A, %add3A_78, %dma_start3A_115] : memref<4x2048x8192xf32, #tpu.memory_space<hbm>> -> memref<1x4x8192xf32, #tpu.memory_space<hbm>>
        %dma_start3A_117 = tpu.memref_squeeze %dma_start3A_116 : memref<1x4x8192xf32, #tpu.memory_space<hbm>> -> memref<4x8192xf32, #tpu.memory_space<hbm>>
        %dma_start3A_118 = arith.constant 0 : i32
        %dma_start3A_119 = tpu.memref_slice %arg4[%select_n3A, %add3A_78, %dma_start3A_118] : memref<4x2048x8192xf32, #tpu.memory_space<hbm>> -> memref<1x4x8192xf32, #tpu.memory_space<hbm>>
        %dma_start3A_120 = tpu.memref_squeeze %dma_start3A_119 : memref<1x4x8192xf32, #tpu.memory_space<hbm>> -> memref<4x8192xf32, #tpu.memory_space<hbm>>
        tpu.enqueue_dma source(%arg6 : memref<4x8192xf32, #tpu.memory_space<vmem>>) target(%dma_start3A_120 : memref<4x8192xf32, #tpu.memory_space<hbm>>) target_semaphore(%run_scoped3A : memref<!tpu.dma_semaphore, #tpu.memory_space<semaphore_mem>>)
        %dma_wait3A_121 = arith.constant 0 : i32
        %dma_wait3A_122 = tpu.memref_slice %arg4[%select_n3A, %add3A_78, %dma_wait3A_121] : memref<4x2048x8192xf32, #tpu.memory_space<hbm>> -> memref<1x4x8192xf32, #tpu.memory_space<hbm>>
        %dma_wait3A_123 = tpu.memref_squeeze %dma_wait3A_122 : memref<1x4x8192xf32, #tpu.memory_space<hbm>> -> memref<4x8192xf32, #tpu.memory_space<hbm>>
        %dma_wait3A_124 = arith.constant 0 : i32
        %dma_wait3A_125 = tpu.memref_slice %arg4[%select_n3A, %add3A_78, %dma_wait3A_124] : memref<4x2048x8192xf32, #tpu.memory_space<hbm>> -> memref<1x4x8192xf32, #tpu.memory_space<hbm>>
        %dma_wait3A_126 = tpu.memref_squeeze %dma_wait3A_125 : memref<1x4x8192xf32, #tpu.memory_space<hbm>> -> memref<4x8192xf32, #tpu.memory_space<hbm>>
        tpu.wait_dma2 semaphore(%run_scoped3A : memref<!tpu.dma_semaphore, #tpu.memory_space<semaphore_mem>>) src(%arg6 : memref<4x8192xf32, #tpu.memory_space<vmem>>) dst(%dma_wait3A_126 : memref<4x8192xf32, #tpu.memory_space<hbm>>)
        tpu.yield
      }) : () -> ()
      %add3A_79 = arith.constant 1 : i32
      %add3A_80 = arith.addi %add3A_62, %add3A_79 : i32
      %dma_wait3A_81 = arith.constant 0 : i32
      %dma_wait3A_82 = tpu.memref_slice %arg5[%add3A_80, %dma_wait3A_81] : memref<64x4xi32, #tpu.memory_space<vmem>> -> memref<1x4xi32, #tpu.memory_space<vmem>>
      %dma_wait3A_83 = tpu.memref_squeeze %dma_wait3A_82 : memref<1x4xi32, #tpu.memory_space<vmem>> -> memref<4xi32, #tpu.memory_space<vmem>>
      %dma_wait3A_84 = arith.constant 0 : i32
      %dma_wait3A_85 = arith.constant 0 : i32
      %dma_wait3A_86 = tpu.memref_slice %arg2[%dma_wait3A_84, %dma_wait3A_85] : memref<8192x8192xf32, #tpu.memory_space<hbm>> -> memref<8192x8192xf32, #tpu.memory_space<hbm>>
      tpu.wait_indirect_dma semaphore(%arg10 : memref<!tpu.dma_semaphore, #tpu.memory_space<semaphore_mem>>) src(%dma_wait3A_86 : memref<8192x8192xf32, #tpu.memory_space<hbm>>) dst(%arg7 : memref<4x8192xf32, #tpu.memory_space<vmem>>)
      %add3A_87 = arith.constant 2 : i32
      %add3A_88 = arith.addi %add3A_80, %add3A_87 : i32
      %lt3A_89 = arith.constant 64 : i32
      %lt3A_90 = arith.cmpi slt, %add3A_88, %lt3A_89 : i32
      %convert_element_type3A_91 = arith.extui %lt3A_90 : i1 to i32
      %cond3A_92 = arith.constant 0 : i32
      %cond3A_93 = arith.cmpi ne, %convert_element_type3A_91, %cond3A_92 : i32
      scf.if %cond3A_93 {
        %dma_start3A_115 = arith.constant 0 : i32
        %dma_start3A_116 = tpu.memref_slice %arg5[%add3A_88, %dma_start3A_115] : memref<64x4xi32, #tpu.memory_space<vmem>> -> memref<1x4xi32, #tpu.memory_space<vmem>>
        %dma_start3A_117 = tpu.memref_squeeze %dma_start3A_116 : memref<1x4xi32, #tpu.memory_space<vmem>> -> memref<4xi32, #tpu.memory_space<vmem>>
        %dma_start3A_118 = arith.constant 0 : i32
        %dma_start3A_119 = arith.constant 0 : i32
        %dma_start3A_120 = tpu.memref_slice %arg2[%dma_start3A_118, %dma_start3A_119] : memref<8192x8192xf32, #tpu.memory_space<hbm>> -> memref<8192x8192xf32, #tpu.memory_space<hbm>>
        tpu.enqueue_indirect_dma source(%dma_start3A_120 : memref<8192x8192xf32, #tpu.memory_space<hbm>>) target(%arg6 : memref<4x8192xf32, #tpu.memory_space<vmem>>) offsets(%dma_start3A_117 : memref<4xi32, #tpu.memory_space<vmem>>) semaphore(%arg9 : memref<!tpu.dma_semaphore, #tpu.memory_space<semaphore_mem>>)
      } else {
      }
      %mul3A_94 = arith.constant 4 : i32
      %mul3A_95 = arith.muli %add3A_80, %mul3A_94 : i32
      %add3A_96 = arith.addi %mul3A_32, %mul3A_95 : i32
      "tpu.region"() ({
        %run_scoped3A = tpu.sem_alloc : memref<!tpu.dma_semaphore, #tpu.memory_space<semaphore_mem>>
        %dma_start3A_115 = arith.constant 0 : i32
        %dma_start3A_116 = tpu.memref_slice %arg4[%select_n3A, %add3A_96, %dma_start3A_115] : memref<4x2048x8192xf32, #tpu.memory_space<hbm>> -> memref<1x4x8192xf32, #tpu.memory_space<hbm>>
        %dma_start3A_117 = tpu.memref_squeeze %dma_start3A_116 : memref<1x4x8192xf32, #tpu.memory_space<hbm>> -> memref<4x8192xf32, #tpu.memory_space<hbm>>
        %dma_start3A_118 = arith.constant 0 : i32
        %dma_start3A_119 = tpu.memref_slice %arg4[%select_n3A, %add3A_96, %dma_start3A_118] : memref<4x2048x8192xf32, #tpu.memory_space<hbm>> -> memref<1x4x8192xf32, #tpu.memory_space<hbm>>
        %dma_start3A_120 = tpu.memref_squeeze %dma_start3A_119 : memref<1x4x8192xf32, #tpu.memory_space<hbm>> -> memref<4x8192xf32, #tpu.memory_space<hbm>>
        tpu.enqueue_dma source(%arg7 : memref<4x8192xf32, #tpu.memory_space<vmem>>) target(%dma_start3A_120 : memref<4x8192xf32, #tpu.memory_space<hbm>>) target_semaphore(%run_scoped3A : memref<!tpu.dma_semaphore, #tpu.memory_space<semaphore_mem>>)
        %dma_wait3A_121 = arith.constant 0 : i32
        %dma_wait3A_122 = tpu.memref_slice %arg4[%select_n3A, %add3A_96, %dma_wait3A_121] : memref<4x2048x8192xf32, #tpu.memory_space<hbm>> -> memref<1x4x8192xf32, #tpu.memory_space<hbm>>
        %dma_wait3A_123 = tpu.memref_squeeze %dma_wait3A_122 : memref<1x4x8192xf32, #tpu.memory_space<hbm>> -> memref<4x8192xf32, #tpu.memory_space<hbm>>
        %dma_wait3A_124 = arith.constant 0 : i32
        %dma_wait3A_125 = tpu.memref_slice %arg4[%select_n3A, %add3A_96, %dma_wait3A_124] : memref<4x2048x8192xf32, #tpu.memory_space<hbm>> -> memref<1x4x8192xf32, #tpu.memory_space<hbm>>
        %dma_wait3A_126 = tpu.memref_squeeze %dma_wait3A_125 : memref<1x4x8192xf32, #tpu.memory_space<hbm>> -> memref<4x8192xf32, #tpu.memory_space<hbm>>
        tpu.wait_dma2 semaphore(%run_scoped3A : memref<!tpu.dma_semaphore, #tpu.memory_space<semaphore_mem>>) src(%arg7 : memref<4x8192xf32, #tpu.memory_space<vmem>>) dst(%dma_wait3A_126 : memref<4x8192xf32, #tpu.memory_space<hbm>>)
        tpu.yield
      }) : () -> ()
      %add3A_97 = arith.constant 2 : i32
      %add3A_98 = arith.addi %add3A_62, %add3A_97 : i32
      %dma_wait3A_99 = arith.constant 0 : i32
      %dma_wait3A_100 = tpu.memref_slice %arg5[%add3A_98, %dma_wait3A_99] : memref<64x4xi32, #tpu.memory_space<vmem>> -> memref<1x4xi32, #tpu.memory_space<vmem>>
      %dma_wait3A_101 = tpu.memref_squeeze %dma_wait3A_100 : memref<1x4xi32, #tpu.memory_space<vmem>> -> memref<4xi32, #tpu.memory_space<vmem>>
      %dma_wait3A_102 = arith.constant 0 : i32
      %dma_wait3A_103 = arith.constant 0 : i32
      %dma_wait3A_104 = tpu.memref_slice %arg2[%dma_wait3A_102, %dma_wait3A_103] : memref<8192x8192xf32, #tpu.memory_space<hbm>> -> memref<8192x8192xf32, #tpu.memory_space<hbm>>
      tpu.wait_indirect_dma semaphore(%arg11 : memref<!tpu.dma_semaphore, #tpu.memory_space<semaphore_mem>>) src(%dma_wait3A_104 : memref<8192x8192xf32, #tpu.memory_space<hbm>>) dst(%arg8 : memref<4x8192xf32, #tpu.memory_space<vmem>>)
      %add3A_105 = arith.constant 2 : i32
      %add3A_106 = arith.addi %add3A_98, %add3A_105 : i32
      %lt3A_107 = arith.constant 64 : i32
      %lt3A_108 = arith.cmpi slt, %add3A_106, %lt3A_107 : i32
      %convert_element_type3A_109 = arith.extui %lt3A_108 : i1 to i32
      %cond3A_110 = arith.constant 0 : i32
      %cond3A_111 = arith.cmpi ne, %convert_element_type3A_109, %cond3A_110 : i32
      scf.if %cond3A_111 {
        %dma_start3A_115 = arith.constant 0 : i32
        %dma_start3A_116 = tpu.memref_slice %arg5[%add3A_106, %dma_start3A_115] : memref<64x4xi32, #tpu.memory_space<vmem>> -> memref<1x4xi32, #tpu.memory_space<vmem>>
        %dma_start3A_117 = tpu.memref_squeeze %dma_start3A_116 : memref<1x4xi32, #tpu.memory_space<vmem>> -> memref<4xi32, #tpu.memory_space<vmem>>
        %dma_start3A_118 = arith.constant 0 : i32
        %dma_start3A_119 = arith.constant 0 : i32
        %dma_start3A_120 = tpu.memref_slice %arg2[%dma_start3A_118, %dma_start3A_119] : memref<8192x8192xf32, #tpu.memory_space<hbm>> -> memref<8192x8192xf32, #tpu.memory_space<hbm>>
        tpu.enqueue_indirect_dma source(%dma_start3A_120 : memref<8192x8192xf32, #tpu.memory_space<hbm>>) target(%arg7 : memref<4x8192xf32, #tpu.memory_space<vmem>>) offsets(%dma_start3A_117 : memref<4xi32, #tpu.memory_space<vmem>>) semaphore(%arg10 : memref<!tpu.dma_semaphore, #tpu.memory_space<semaphore_mem>>)
      } else {
      }
      %mul3A_112 = arith.constant 4 : i32
      %mul3A_113 = arith.muli %add3A_98, %mul3A_112 : i32
      %add3A_114 = arith.addi %mul3A_32, %mul3A_113 : i32
      "tpu.region"() ({
        %run_scoped3A = tpu.sem_alloc : memref<!tpu.dma_semaphore, #tpu.memory_space<semaphore_mem>>
        %dma_start3A_115 = arith.constant 0 : i32
        %dma_start3A_116 = tpu.memref_slice %arg4[%select_n3A, %add3A_114, %dma_start3A_115] : memref<4x2048x8192xf32, #tpu.memory_space<hbm>> -> memref<1x4x8192xf32, #tpu.memory_space<hbm>>
        %dma_start3A_117 = tpu.memref_squeeze %dma_start3A_116 : memref<1x4x8192xf32, #tpu.memory_space<hbm>> -> memref<4x8192xf32, #tpu.memory_space<hbm>>
        %dma_start3A_118 = arith.constant 0 : i32
        %dma_start3A_119 = tpu.memref_slice %arg4[%select_n3A, %add3A_114, %dma_start3A_118] : memref<4x2048x8192xf32, #tpu.memory_space<hbm>> -> memref<1x4x8192xf32, #tpu.memory_space<hbm>>
        %dma_start3A_120 = tpu.memref_squeeze %dma_start3A_119 : memref<1x4x8192xf32, #tpu.memory_space<hbm>> -> memref<4x8192xf32, #tpu.memory_space<hbm>>
        tpu.enqueue_dma source(%arg8 : memref<4x8192xf32, #tpu.memory_space<vmem>>) target(%dma_start3A_120 : memref<4x8192xf32, #tpu.memory_space<hbm>>) target_semaphore(%run_scoped3A : memref<!tpu.dma_semaphore, #tpu.memory_space<semaphore_mem>>)
        %dma_wait3A_121 = arith.constant 0 : i32
        %dma_wait3A_122 = tpu.memref_slice %arg4[%select_n3A, %add3A_114, %dma_wait3A_121] : memref<4x2048x8192xf32, #tpu.memory_space<hbm>> -> memref<1x4x8192xf32, #tpu.memory_space<hbm>>
        %dma_wait3A_123 = tpu.memref_squeeze %dma_wait3A_122 : memref<1x4x8192xf32, #tpu.memory_space<hbm>> -> memref<4x8192xf32, #tpu.memory_space<hbm>>
        %dma_wait3A_124 = arith.constant 0 : i32
        %dma_wait3A_125 = tpu.memref_slice %arg4[%select_n3A, %add3A_114, %dma_wait3A_124] : memref<4x2048x8192xf32, #tpu.memory_space<hbm>> -> memref<1x4x8192xf32, #tpu.memory_space<hbm>>
        %dma_wait3A_126 = tpu.memref_squeeze %dma_wait3A_125 : memref<1x4x8192xf32, #tpu.memory_space<hbm>> -> memref<4x8192xf32, #tpu.memory_space<hbm>>
        tpu.wait_dma2 semaphore(%run_scoped3A : memref<!tpu.dma_semaphore, #tpu.memory_space<semaphore_mem>>) src(%arg8 : memref<4x8192xf32, #tpu.memory_space<vmem>>) dst(%dma_wait3A_126 : memref<4x8192xf32, #tpu.memory_space<hbm>>)
        tpu.yield
      }) : () -> ()
    }
    %scan3A_49 = arith.constant 21 : i32
    %dma_wait3A = arith.constant 63 : i32
    %dma_wait3A_50 = arith.constant 0 : i32
    %dma_wait3A_51 = tpu.memref_slice %arg5[%dma_wait3A, %dma_wait3A_50] : memref<64x4xi32, #tpu.memory_space<vmem>> -> memref<1x4xi32, #tpu.memory_space<vmem>>
    %dma_wait3A_52 = tpu.memref_squeeze %dma_wait3A_51 : memref<1x4xi32, #tpu.memory_space<vmem>> -> memref<4xi32, #tpu.memory_space<vmem>>
    %dma_wait3A_53 = arith.constant 0 : i32
    %dma_wait3A_54 = arith.constant 0 : i32
    %dma_wait3A_55 = tpu.memref_slice %arg2[%dma_wait3A_53, %dma_wait3A_54] : memref<8192x8192xf32, #tpu.memory_space<hbm>> -> memref<8192x8192xf32, #tpu.memory_space<hbm>>
    tpu.wait_indirect_dma semaphore(%arg9 : memref<!tpu.dma_semaphore, #tpu.memory_space<semaphore_mem>>) src(%dma_wait3A_55 : memref<8192x8192xf32, #tpu.memory_space<hbm>>) dst(%arg6 : memref<4x8192xf32, #tpu.memory_space<vmem>>)
    %add3A_56 = arith.constant 252 : i32
    %add3A_57 = arith.addi %mul3A_32, %add3A_56 : i32
    "tpu.region"() ({
      %run_scoped3A = tpu.sem_alloc : memref<!tpu.dma_semaphore, #tpu.memory_space<semaphore_mem>>
      %dma_start3A_58 = arith.constant 0 : i32
      %dma_start3A_59 = tpu.memref_slice %arg4[%select_n3A, %add3A_57, %dma_start3A_58] : memref<4x2048x8192xf32, #tpu.memory_space<hbm>> -> memref<1x4x8192xf32, #tpu.memory_space<hbm>>
      %dma_start3A_60 = tpu.memref_squeeze %dma_start3A_59 : memref<1x4x8192xf32, #tpu.memory_space<hbm>> -> memref<4x8192xf32, #tpu.memory_space<hbm>>
      %dma_start3A_61 = arith.constant 0 : i32
      %dma_start3A_62 = tpu.memref_slice %arg4[%select_n3A, %add3A_57, %dma_start3A_61] : memref<4x2048x8192xf32, #tpu.memory_space<hbm>> -> memref<1x4x8192xf32, #tpu.memory_space<hbm>>
      %dma_start3A_63 = tpu.memref_squeeze %dma_start3A_62 : memref<1x4x8192xf32, #tpu.memory_space<hbm>> -> memref<4x8192xf32, #tpu.memory_space<hbm>>
      tpu.enqueue_dma source(%arg6 : memref<4x8192xf32, #tpu.memory_space<vmem>>) target(%dma_start3A_63 : memref<4x8192xf32, #tpu.memory_space<hbm>>) target_semaphore(%run_scoped3A : memref<!tpu.dma_semaphore, #tpu.memory_space<semaphore_mem>>)
      %dma_wait3A_64 = arith.constant 0 : i32
      %dma_wait3A_65 = tpu.memref_slice %arg4[%select_n3A, %add3A_57, %dma_wait3A_64] : memref<4x2048x8192xf32, #tpu.memory_space<hbm>> -> memref<1x4x8192xf32, #tpu.memory_space<hbm>>
      %dma_wait3A_66 = tpu.memref_squeeze %dma_wait3A_65 : memref<1x4x8192xf32, #tpu.memory_space<hbm>> -> memref<4x8192xf32, #tpu.memory_space<hbm>>
      %dma_wait3A_67 = arith.constant 0 : i32
      %dma_wait3A_68 = tpu.memref_slice %arg4[%select_n3A, %add3A_57, %dma_wait3A_67] : memref<4x2048x8192xf32, #tpu.memory_space<hbm>> -> memref<1x4x8192xf32, #tpu.memory_space<hbm>>
      %dma_wait3A_69 = tpu.memref_squeeze %dma_wait3A_68 : memref<1x4x8192xf32, #tpu.memory_space<hbm>> -> memref<4x8192xf32, #tpu.memory_space<hbm>>
      tpu.wait_dma2 semaphore(%run_scoped3A : memref<!tpu.dma_semaphore, #tpu.memory_space<semaphore_mem>>) src(%arg6 : memref<4x8192xf32, #tpu.memory_space<vmem>>) dst(%dma_wait3A_69 : memref<4x8192xf32, #tpu.memory_space<hbm>>)
      tpu.yield
    }) : () -> ()
    return
  }
}

</mosaic_0001>

<sc_bundles>
// kernel: gather_offload_async_start.1
scs
__scs_entry_jumppad:
0x0: {  	(pc) =	sbr.rel $0x88, $3  }
0x1: {  	(tag) =	ssettag $0x0;
	lr =	simm.s32 $0x1  }
0x2: {  	[smem:$0x3F9F] =	sst lr;
	_ =	strace $0xD0000000  }
0x3: {  	_ = 	snop  }
0x4: {  	_ = 	snop  }
0x5: {  	_ = 	snop  }
0x6: {  	_ = 	snop  }
0x7: {  	_ = 	snop  }
__scs_overlays_trampoline_lowered:
0x8: {  	[smem:$0x3FAE] =	sst s0  }
0x9: {  	[smem:$0x3FAF] =	sst s1  }
0xa: {  	[smem:$0x3FB0] =	sst s2  }
0xb: {  	[smem:$0x3FB1] =	sst s3  }
0xc: {  	[smem:$0x3FB2] =	sst s4  }
0xd: {  	[smem:$0x3FB3] =	sst s5  }
0xe: {  	[smem:$0x3FB4] =	sst s6  }
0xf: {  	[smem:$0x3FB5] =	sst s7  }
0x10: {  	[smem:$0x3FB6] =	sst s8  }
0x11: {  	[smem:$0x3FB7] =	sst s9;
	s0 =	simm.s32 @!p0 $0x0  }
0x12: {  	s1 =	sld [smem:$0x3F9D];
	s0 =	simm.s32 @p0 $0x1  }
0x13: {  	[smem:$0x3FB8] =	sst s0;
	s0 =	simm.s32 @!p1 $0x0  }
0x14: {  	s2 =	sld [smem:$0x3F9C];
	s0 =	simm.s32 @p1 $0x1  }
0x15: {  	[smem:$0x3FB9] =	sst s0;
	s0 =	simm.s32 @!p2 $0x0  }
0x16: {  	s3 =	sld [smem:$0x3FDB];
	s0 =	simm.s32 @p2 $0x1  }
0x17: {  	s4 =	simm.s32 $0x1BF5;
	[smem:$0x3FBB] =	sst s0  }
0x18: {  	s0 =	sld [smem:$0x3F9E];
	_ =	swait.ge [sflag:s4], $0x0  }
0x19: {  	s7 =	sld [smem:$0x3F9F]  }
0x1a: {  	s8 =	sadd.s32 $0xFFFFE003, lr  }
0x1b: {  	s9 =	sadd.s32 $0xFFFFFEF7, lr;
	s5 =	simm.s32 $0xFFFFFFFF;
	p2 =	slt.u32 s8, $0xFFFFF086  }
0x1c: {  	p1 =	slt.u32 s9, $0xF7A;
	s5 =	simm.s32 @!p2 $0x0  }
0x1d: {  	s5 =	simm.s32 @p1 $0x1;
	p0 =	seq.s32 s7, s2  }
0x1e: {  	s7 =	smul.u32 @!p0 $0xF7A, s2;
	p2 =	seq.s32 @!p0 s5, $0x0  }
0x1f: {  	s9 =	smul.u32 $0xF7A, s1;
	s8 =	simm.s32 @!p0 $0x1BF5;
	p2 =	por !p2, p0  }
0x20: {  	[sflag:s8] =	ssyncset.s32 @!p0 $0xFFFFF086;
	s6 =	sadd.s32 @!p0 s3, s7;
	s7 =	simm.s32 @!p0 $0x108  }
0x21: {  	s3 =	sadd.s32 s3, s9;
	s6 =	sadd.s32 @!p0 $0x88, s6;
	s7 =	simm.s32 @p2 $0x1082  }
0x22: {  	[simem:s7], [sflag:s8] =	dma.local @!p0 [hbm:s6], $0xF7A  }
0x23: {  	s9 =	sor.u32 $0xD0000000, s2;
	s6 =	simm.s32 $0x108;
	_ =	swait.ge @!p0 [sflag:s8], $0x0  }
0x24: {  	s3 =	sadd.s32 $0x88, s3;
	s6 =	simm.s32 @!p1 $0x1082;
	[sflag:s4] =	ssyncset.s32 $0xFFFFF086  }
0x25: {  	[simem:s6], [sflag:s4] =	dma.local [hbm:s3], $0xF7A  }
0x26: {  	[smem:$0x3F9F] =	sst s1;
	(tag) =	ssettag s2;
	_ =	strace s9  }
0x27: {  	s1 =	sld [smem:$0x3FAF]  }
0x28: {  	s2 =	sld [smem:$0x3FB0]  }
0x29: {  	s4 =	sld [smem:$0x3FB2]  }
0x2a: {  	p0 =	seq.s32 s5, $0x0;
	s5 =	sld [smem:$0x3FB3]  }
0x2b: {  	s6 =	sld [smem:$0x3FB4]  }
0x2c: {  	s7 =	sld [smem:$0x3FB5]  }
0x2d: {  	s3 =	simm.s32 $0x108;
	s8 =	sld [smem:$0x3FB6]  }
0x2e: {  	s3 =	simm.s32 @!p0 $0x1082;
	s9 =	sld [smem:$0x3FB7]  }
0x2f: {  	lr =	sadd.s32 s0, s3;
	s0 =	sld [smem:$0x3FAE]  }
0x30: {  	s3 =	sld [smem:$0x3FB1]  }
0x31: {  	[smem:$0x3FBA] =	sst s10  }
0x32: {  	s10 =	sld [smem:$0x3FB8];
	_ =	sdelay $0x3  }
0x33: {  	p0 =	seq.s32 s10, $0x1;
	s10 =	sld [smem:$0x3FBA];
	_ =	sdelay $0x3  }
0x34: {  	[smem:$0x3FBA] =	sst s10  }
0x35: {  	s10 =	sld [smem:$0x3FB9];
	_ =	sdelay $0x3  }
0x36: {  	p1 =	seq.s32 s10, $0x1;
	s10 =	sld [smem:$0x3FBA];
	_ =	sdelay $0x3  }
0x37: {  	[smem:$0x3FBA] =	sst s10  }
0x38: {  	s10 =	sld [smem:$0x3FBB]  }
0x39: {  	_ = 	snop;
	(pc) =	sbr.ind lr, $3  }
0x3a: {  	_ = 	snop  }
0x3b: {  	_ = 	snop  }
0x3c: {  	p2 =	seq.s32 s10, $0x1;
	s10 =	sld [smem:$0x3FBA]  }
0x3d: {  	_ =	shalt  }
0x3e: {  	_ =	shalt  }
0x3f: {  	_ =	shalt  }
0x40: {  	_ =	shalt  }
0x41: {  	_ =	shalt  }
0x42: {  	_ =	shalt  }
0x43: {  	_ =	shalt  }
0x44: {  	_ =	shalt  }
0x45: {  	_ =	shalt  }
0x46: {  	_ =	shalt  }
0x47: {  	_ =	shalt  }
0x48: {  	_ =	shalt  }
0x49: {  	_ =	shalt  }
0x4a: {  	_ =	shalt  }
0x4b: {  	_ =	shalt  }
0x4c: {  	_ =	shalt  }
0x4d: {  	_ =	shalt  }
0x4e: {  	_ =	shalt  }
0x4f: {  	_ =	shalt  }
0x50: {  	_ =	shalt  }
0x51: {  	_ =	shalt  }
0x52: {  	_ =	shalt  }
0x53: {  	_ =	shalt  }
0x54: {  	_ =	shalt  }
0x55: {  	_ =	shalt  }
0x56: {  	_ =	shalt  }
0x57: {  	_ =	shalt  }
0x58: {  	_ =	shalt  }
0x59: {  	_ =	shalt  }
0x5a: {  	_ =	shalt  }
0x5b: {  	_ =	shalt  }
0x5c: {  	_ =	shalt  }
0x5d: {  	_ =	shalt  }
0x5e: {  	_ =	shalt  }
0x5f: {  	_ =	shalt  }
0x60: {  	_ =	shalt  }
0x61: {  	_ =	shalt  }
0x62: {  	_ =	shalt  }
0x63: {  	_ =	shalt  }
0x64: {  	_ =	shalt  }
0x65: {  	_ =	shalt  }
0x66: {  	_ =	shalt  }
0x67: {  	_ =	shalt  }
0x68: {  	_ =	shalt  }
0x69: {  	_ =	shalt  }
0x6a: {  	_ =	shalt  }
0x6b: {  	_ =	shalt  }
0x6c: {  	_ =	shalt  }
0x6d: {  	_ =	shalt  }
0x6e: {  	_ =	shalt  }
0x6f: {  	_ =	shalt  }
0x70: {  	_ =	shalt  }
0x71: {  	_ =	shalt  }
0x72: {  	_ =	shalt  }
0x73: {  	_ =	shalt  }
0x74: {  	_ =	shalt  }
0x75: {  	_ =	shalt  }
0x76: {  	_ =	shalt  }
0x77: {  	_ =	shalt  }
0x78: {  	_ =	shalt  }
0x79: {  	_ =	shalt  }
0x7a: {  	_ =	shalt  }
0x7b: {  	_ =	shalt  }
0x7c: {  	_ =	shalt  }
0x7d: {  	_ =	shalt  }
0x7e: {  	_ =	shalt  }
0x7f: {  	_ =	shalt  }
0x80: {  	_ =	shalt  }
0x81: {  	_ =	shalt  }
0x82: {  	_ =	shalt  }
0x83: {  	_ =	shalt  }
0x84: {  	_ =	shalt  }
0x85: {  	_ =	shalt  }
0x86: {  	_ =	shalt  }
0x87: {  	_ =	shalt  }
.Lfunc_end0:
.L_simem_size_0:
called_computation.1_lowered:
.L_overlay_start_0:
0x88: {  	s2 =	sld [smem:$0x3FD9]  }
0x89: {  	s3 =	sld [smem:$0x3FFE];
	_ =	sdelay $0x1  }
0x8a: {  	s1 =	srdreg.scid  }
0x8b: {  	s0 =	sand.u32 $0x1, s1  }
0x8c: {  	s16 =	sshll.u32 s0, $0xA;
	s2 =	sadd.s32 s3, s2  }
0x8d: {  	s2 =	sadd.s32 s2, s16  }
0x8e: {  	[smem:$0x3FC6] =	sst s2  }
0x8f: {  	_ = 	snop  }
0x90: {  	(tm) =	ssettm $0x1  }
0x91: {  	s17 =	sld [smem:$0x3FFB];
	_ =	sdelay $0x3  }
0x92: {  	_ =	strace s17  }
0x93: {  	s2 =	sld [smem:$0x3FFC];
	_ =	sdelay $0x3  }
0x94: {  	_ =	strace s2  }
0x95: {  	s2 =	sld [smem:$0x3FFD];
	_ =	sdelay $0x3  }
0x96: {  	_ =	strace s2  }
0x97: {  	_ =	strace $0x8FFFFFFF  }
0x98: {  	s18 =	sld [smem:$0x3FDB];
	_ =	sdelay $0x1  }
0x99: {  	s19 =	simm.s32 $_scs_section_size  }
0x9a: {  	s4 =	simm.s32 $_size__tile_overlayer_lowered;
	s5 =	simm.s32 $_tile_overlayer_lowered  }
0x9b: {  	s22 =	simm.s32 $0x1BFF;
	s21 =	sshll.u32 s5, $0x1;
	s2 =	sadd.s32 s19, s18  }
0x9c: {  	s6 =	simm.s32 $0x0;
	s20 =	sshll.u32 s4, $0x1;
	s4 =	sadd.s32 s21, s2  }
0x9d: {  	[timem:s6], [sflag:s22] =	dma.local [hbm:s4], s20  }
0x9e: {  	_ =	swait.ge [sflag:s22], s20  }
0x9f: {  	s3 =	ssub.s32 $0x0, s20;
	[sflag:s22] =	ssyncset.done $0x0  }
0xa0: {  	[sflag:s22] =	ssyncadd.s32 s3;
	_ =	sdelay $0x1  }
0xa1: {  	s23 =	simm.s32 $0x1B8B  }
0xa2: {  	_ =	swait.ge [sflag:s23], $0x1  }
0xa3: {  	[sflag:s23] =	ssyncset.done $0x0  }
0xa4: {  	s25 =	simm.s32 $0x1B8E;
	s24 =	sld [smem:$0x3FFE];
	[sflag:s23] =	ssyncadd.s32 $0xFFFFFFFF  }
0xa5: {  	s26 =	simm.s32 $execute0_lowered;
	[smem:$0x3FD2] =	sst s25  }
0xa6: {  	s4 =	sshll.u32 s26, $0x1;
	_ =	strace $0x80000046;
	[dreg:$0x1] =	wrdreg $0xFFFFFFFF  }
0xa7: {  	s28 =	simm.s32 $_size_execute0_lowered;
	s2 =	sadd.s32 s2, s4;
	[dreg:$0x0] =	wrdreg $0x0  }
0xa8: {  	s4 =	sshll.u32 s28, $0x1;
	[dreg:$0x2] =	wrdreg s2  }
0xa9: {  	[dreg:$0x3] =	wrdreg s4  }
0xaa: {  	[dreg:$0x4] =	wrdreg $0xC0  }
0xab: {  	_ =	task [dreg:s6], $0x5FFFF  }
0xac: {  	[dreg:$0x1] =	wrdreg $0xFFFFFFFF  }
0xad: {  	[dreg:$0x0] =	wrdreg $0x60  }
0xae: {  	[dreg:$0x2] =	wrdreg s24  }
0xaf: {  	[dreg:$0x3] =	wrdreg $0x9  }
0xb0: {  	_ =	task.clear_ibuf [dreg:s6], $0x4FFFF;
	_ =	strace $0x90000046  }
0xb1: {  	s29 =	simm.s32 $0x9;
	_ =	strace $0x80000048  }
0xb2: {  	_ =	swait.ge [sflag:s29], $0x1  }
0xb3: {  	[sflag:s29] =	ssyncadd.s32 $0xFFFFFFFF  }
0xb4: {  	_ =	strace $0x90000048  }
0xb5: {  	_ =	sfence  }
0xb6: {  	s30 =	sld [smem:$0x0];
	_ =	sdelay $0x2  }
0xb7: {  	s31 =	sshll.u32 s1, $0xD;
	s1 =	sshrl.u32 s1, $0x2  }
0xb8: {  	s3 =	sand.u32 $0x4000, s31;
	s1 =	sadd.s32 s1, s30  }
0xb9: {  	s0 =	sor.u32 s3, s0;
	s1 =	sshll.u32 s1, $0x11  }
0xba: {  	s0 =	sor.u32 s1, s0  }
0xbb: {  	s0 =	sadd.s32 $0x8F2B, s0  }
0xbc: {  	[sflag:s0] =	ssyncadd.remote.s32 $0x1  }
0xbd: {  	_ =	sfence.sel $0xFFFF  }
0xbe: {  	[dreg:$0x0] =	wrdreg $0xFFFFFFFF;
	(pc) =	sbr.abs _section_cstart, $3  }
0xbf: {  	[dreg:$0x1] =	wrdreg $0xFFFFFFFF  }
0xc0: {  	_ =	task.clear_ibuf [dreg:s6], $0x2FFFF;
	_ =	strace $0x9FFFFFFF  }
0xc1: {  	(tm) =	ssettm $0x7FFFFFFF  }
tec
execute0_lowered:
.L_overlay_start_1:
0x0: {  	(tag) =	ssettag $0x1  }
0x1: {  	s1 =	srdreg.scid  }
0x2: {  	s0 =	stileid.u32;
	s2 =	rddreg [dreg:$0x0];
	s6 =	simm.s32 $0x1  }
0x3: {  	s9 =	simm.s32 $0x1;
	s10 =	simm.s32 $0x3;
	s1 =	sshll.u32 s1, $0x7  }
0x4: {  	s13 =	simm.s32 $0x0;
	s3 =	sshll.u32 s0, $0x8;
	s4 =	sand.u32 $0x80, s1  }
0x5: {  	s12 =	simm.s32 $0x0;
	s5 =	sadd.s32 $0x800, s2;
	s3 =	sor.u32 s3, s4  }
0x6: {  	s1 =	rddreg [dreg:$0x1];
	_ =	strace $0x80000047;
	s8 =	ssub.s32 $0x2000, s3  }
.Ltmp0:
0x7: {  	s4 =	sadd.s32 $0x400, s2;
	s7 =	sand.u32 $0xF80, s8;
	(pc) =	sbr.rel .LBB2_1-.Ltmp0, $4  }
0x8: {  	[sflag:s6] =	ssyncpa.u1 $0x0;
	s11 =	smov.u32 s3;
	p0 =	sne.s32 s7, $0x0  }
0x9: {  	s8 =	sshrl.u32 s8, $0xC;
	s7 =	simm.s32 $0x2;
	s9 =	simm.s32 @!p0 $0x0  }
0xa: {  	[sflag:s7] =	ssyncpa.u1 $0x0;
	p0 =	por $0x0, $0x0;
	s8 =	sadd.s32 s9, s8  }
0xb: {  	vm0 =	vmmov $0xffff;
	[sflag:s10] =	ssyncpa.u1 $0x0;
	s10 =	simm.s32 $0x0;
	s9 =	sadd.s32 $0x1, s8  }
.LBB2_4:
0xc: {  	v2 =	vnsel vm1, $0x0, v2  }
0xd: {  	vm1 =	vgt.s32 v0, $0x0;
	v2 =	vmin.u32 v2, $0x1FFF  }
0xe: {  	v0 =	vnsel vm1, $0x0, v0  }
0xf: {  	v0 =	vmin.u32 v0, $0x1FFF  }
0x10: {  	[tilespmem:s15], [sflag:$0x1] =	stream.indirect_vreg.gather [hbm4b:s2+s10], $0x1, v1, vm0, $0x4038;
	[tilespmem:$0x200] =	vst v63  }
0x11: {  	(ifvalue) =	ssetifvalue $0x7FFFFFFF  }
0x12: {  	[tilespmem:s16], [sflag:$0x1] =	stream.indirect_vreg.gather [hbm4b:s2+s10], $0x1, v2, vm0, $0x4038;
	[tilespmem:$0x200] =	vst v63  }
0x13: {  	s29 =	sadd.s32 $0x10, s16;
	(ifvalue) =	ssetifvalue $0x7FFFFFFF  }
0x14: {  	[tilespmem:s29], [sflag:$0x1] =	stream.indirect_vreg.gather [hbm4b:s2+s10], $0x1, v0, vm0, $0x4038;
	[tilespmem:$0x200] =	vst v63  }
0x15: {  	_ =	swait.ge [sflag:s6], $0x80  }
0x16: {  	s30 =	sshrl.u32 s13, $0x3;
	[sflag:s6] =	ssyncset.done $0x0  }
0x17: {  	s31 =	sand.u32 $0x7, s13;
	s15 =	sadd.s32 s5, s30;
	[sflag:s6] =	ssyncadd.s32 $0xFFFFFF80  }
0x18: {  	[hbm4b:s15+s31] =	stream.linear.scatter [tilespmem:s14], [sflag:$0x3], $0x80, $0x38;
	[tilespmem:$0x200] =	vst v63  }
.LBB2_5:
0x19: {  	s15 =	sadd.s32 $0x1000, s11  }
0x1a: {  	p2 =	sgt.s32 s15, $0x1FFF  }
0x1b: {  	s15 =	smov.u32 @p2 s3;
	p2 =	sne.s32 s12, s9  }
.Ltmp1:
0x1c: {  	p1 =	slt.u32 s12, $0x2;
	(pc) =	sbr.rel @!p2 .LBB2_6-.Ltmp1, $4  }
0x1d: {  	s14 =	simm.s32 @!p1 $0x3  }
0x1e: {  	s16 =	sadd.s32 $0x1, s12;
	_ =	swait.ge @!p1 [sflag:s14], $0x80  }
0x1f: {  	s13 =	smov.u32 s11;
	p0 =	por !p0, !p0;
	[sflag:s14] =	ssyncset.done @!p1 $0x0  }
0x20: {  	s12 =	smov.u32 s16;
	s11 =	smov.u32 s15;
	[sflag:s14] =	ssyncadd.s32 @!p1 $0xFFFFFF80  }
.LBB2_1:
0x21: {  	p1 =	sge.u32 s12, s8  }
0x22: {  	s14 =	sxor.u32 @!p1 $0xFFFFFFFF, s12  }
0x23: {  	s31 =	sadd.s32 $0xFFFFFFFF, s12;
	s15 =	sshrl.u32 @!p1 s11, $0x3;
	s14 =	sshll.u32 @!p1 s14, $0x7  }
0x24: {  	s16 =	sand.u32 @!p1 $0x7, s11;
	s15 =	sadd.s32 @!p1 s4, s15;
	s14 =	sand.u32 @!p1 $0x80, s14  }
0x25: {  	[tilespmem:s14], [sflag:$0x2] =	stream.linear.gather @!p1 [hbm4b:s15+s16], $0x80, $0x38;
	[tilespmem:$0x200] =	vst v63  }
0x26: {  	p1 =	sge.u32 s31, s8  }
.Ltmp2:
0x27: {  	_ = 	snop;
	(pc) =	sbr.rel @p1 .LBB2_5-.Ltmp2, $1  }
0x28: {  	_ =	sdelay $0x3  }
0x29: {  	s14 =	simm.s32 $0x1  }
0x2a: {  	_ =	swait.ge [sflag:s7], $0x80;
	s14 =	simm.s32 @!p0 $0x0  }
0x2b: {  	[sflag:s7] =	ssyncset.done $0x0;
	s14 =	sshll.u32 s14, $0x7  }
0x2c: {  	[sflag:s7] =	ssyncadd.s32 $0xFFFFFF80;
	(ifvalue) =	ssetifvalue $0x7FFFFFFF;
	v0 =	vld.msk [tilespmem:s14+$0x0 ss:$0x1], $0xffff;
	_ =	sdelay $0x4  }
0x2d: {  	s15 =	sadd.s32 $0x10, s14;
	vm1 =	vgt.s32 v0, $0x0  }
0x2e: {  	v2 =	vld.msk [tilespmem:s15+$0x0 ss:$0x1], $0xffff;
	v1 =	vnsel vm1, $0x0, v0  }
0x2f: {  	v1 =	vmin.u32 v1, $0x1FFF;
	_ =	sdelay $0x1  }
0x30: {  	s16 =	sshll.u32 s12, $0x7;
	s18 =	simm.s32 $0x20  }
0x31: {  	s16 =	sand.u32 $0x80, s16;
	s17 =	sadd.s32 $0x10, s15;
	s15 =	sor.u32 $0x100, s14  }
0x32: {  	s14 =	sor.u32 $0x100, s16;
	s16 =	sadd.s32 $0x10, s15;
	v0 =	vld.msk [tilespmem:s17+$0x0 ss:$0x1], $0xffff;
	vm1 =	vgt.s32 v2, $0x0;
	(ifvalue) =	ssetifvalue $0x7FFFFFFF  }
.LBB2_3:
0x33: {  	[tilespmem:s15], [sflag:$0x1] =	stream.indirect_vreg.gather [hbm4b:s2+s10], $0x1, v1, vm0, $0x4038;
	[tilespmem:$0x200] =	vst v63  }
0x34: {  	s18 =	sadd.s32 $0x10, s18  }
0x35: {  	v2 =	vnsel vm1, $0x0, v2;
	p1 =	slt.u32 s18, $0x70  }
.Ltmp3:
0x36: {  	s15 =	smov.u32 s16;
	v1 =	vmin.u32 v2, $0x1FFF;
	(pc) =	sbr.rel @p1 .LBB2_3-.Ltmp3, $3  }
0x37: {  	_ =	sdelay $0x1  }
0x38: {  	s17 =	sadd.s32 $0x10, s17  }
0x39: {  	vm1 =	vgt.s32 v0, $0x0;
	s16 =	sadd.s32 $0x10, s16;
	v2 =	vmov v0;
	(ifvalue) =	ssetifvalue $0x7FFFFFFF;
	v0 =	vld.msk [tilespmem:s17+$0x0 ss:$0x1], $0xffff  }
.Ltmp4:
0x3a: {  	_ = 	snop;
	(pc) =	sbr.rel .LBB2_4-.Ltmp4, $1  }
0x3b: {  	_ =	sdelay $0x3  }
.LBB2_6:
0x3c: {  	_ =	sfence.sel $0x180000  }
0x3d: {  	s2 =	simm.s32 $0x2;
	[bflag:$0x0] =	sbarrier.arrive $0xFFFF  }
0x3e: {  	s30 =	simm.s32 $0x3;
	[sflag:s2] =	ssyncpa.u1 $0x1  }
0x3f: {  	s31 =	simm.s32 $0x1;
	[sflag:s30] =	ssyncpa.u1 $0x1  }
0x40: {  	[sflag:s31] =	ssyncpa.u1 $0x1  }
0x41: {  	p0 =	sne.s32 s0, $0x0;
	_ =	strace $0x90000047  }
0x42: {  	s0 =	sadd.s32 @!p0 $0x100000, s1;
	[bflag:$0x2] =	sbarrier.arrive $0xFFFF  }
0x43: {  	[sflag:s0] =	ssyncadd.tile.s32 @!p0 $0x1;
	_ =	shalt  }
.Lfunc_end2:
_tile_overlayer_lowered:
.L_overlay_start_2:
0x44: {  	(tag) =	ssettag $0x2  }
0x45: {  	s0 =	rddreg [dreg:$0x0];
	s2 =	stileid.u32  }
0x46: {  	s1 =	rddreg [dreg:$0x1];
	p0 =	sne.s32 s2, $0x0  }
0x47: {  	s3 =	rddreg [dreg:$0x2];
	[bflag:$0x3] =	sbarrier.arrive $0xFFFF;
	s2 =	simm.s32 @!p0 $0x1C01  }
0x48: {  	[timem:s3], [sflag:s2] =	dma.local @!p0 [hbm:s0], s1  }
0x49: {  	s0 =	simm.s32 @!p0 $0x1  }
0x4a: {  	_ =	swait.ge @!p0 [sflag:s0], s1  }
0x4b: {  	s1 =	ssub.s32 @!p0 $0x0, s1;
	[sflag:s0] =	ssyncset.done @!p0 $0x0  }
0x4c: {  	[sflag:s0] =	ssyncadd.s32 @!p0 s1  }
0x4d: {  	[bflag:$0x3] =	sbarrier.arrive $0xFFFF  }
0x4e: {  	_ =	shalt  }

// kernel: gather_offload_async_start
scs
__scs_entry_jumppad:
0x0: {  	(pc) =	sbr.rel $0x88, $3  }
0x1: {  	(tag) =	ssettag $0x0;
	lr =	simm.s32 $0x1  }
0x2: {  	[smem:$0x3F9F] =	sst lr;
	_ =	strace $0xD0000000  }
0x3: {  	_ = 	snop  }
0x4: {  	_ = 	snop  }
0x5: {  	_ = 	snop  }
0x6: {  	_ = 	snop  }
0x7: {  	_ = 	snop  }
__scs_overlays_trampoline_lowered:
0x8: {  	[smem:$0x3FAE] =	sst s0  }
0x9: {  	[smem:$0x3FAF] =	sst s1  }
0xa: {  	[smem:$0x3FB0] =	sst s2  }
0xb: {  	[smem:$0x3FB1] =	sst s3  }
0xc: {  	[smem:$0x3FB2] =	sst s4  }
0xd: {  	[smem:$0x3FB3] =	sst s5  }
0xe: {  	[smem:$0x3FB4] =	sst s6  }
0xf: {  	[smem:$0x3FB5] =	sst s7  }
0x10: {  	[smem:$0x3FB6] =	sst s8  }
0x11: {  	[smem:$0x3FB7] =	sst s9;
	s0 =	simm.s32 @!p0 $0x0  }
0x12: {  	s1 =	sld [smem:$0x3F9D];
	s0 =	simm.s32 @p0 $0x1  }
0x13: {  	[smem:$0x3FB8] =	sst s0;
	s0 =	simm.s32 @!p1 $0x0  }
0x14: {  	s2 =	sld [smem:$0x3F9C];
	s0 =	simm.s32 @p1 $0x1  }
0x15: {  	[smem:$0x3FB9] =	sst s0;
	s0 =	simm.s32 @!p2 $0x0  }
0x16: {  	s3 =	sld [smem:$0x3FDB];
	s0 =	simm.s32 @p2 $0x1  }
0x17: {  	s4 =	simm.s32 $0x1BF5;
	[smem:$0x3FBB] =	sst s0  }
0x18: {  	s0 =	sld [smem:$0x3F9E];
	_ =	swait.ge [sflag:s4], $0x0  }
0x19: {  	s7 =	sld [smem:$0x3F9F]  }
0x1a: {  	s8 =	sadd.s32 $0xFFFFE003, lr  }
0x1b: {  	s9 =	sadd.s32 $0xFFFFFEF7, lr;
	s5 =	simm.s32 $0xFFFFFFFF;
	p2 =	slt.u32 s8, $0xFFFFF086  }
0x1c: {  	p1 =	slt.u32 s9, $0xF7A;
	s5 =	simm.s32 @!p2 $0x0  }
0x1d: {  	s5 =	simm.s32 @p1 $0x1;
	p0 =	seq.s32 s7, s2  }
0x1e: {  	s7 =	smul.u32 @!p0 $0xF7A, s2;
	p2 =	seq.s32 @!p0 s5, $0x0  }
0x1f: {  	s9 =	smul.u32 $0xF7A, s1;
	s8 =	simm.s32 @!p0 $0x1BF5;
	p2 =	por !p2, p0  }
0x20: {  	[sflag:s8] =	ssyncset.s32 @!p0 $0xFFFFF086;
	s6 =	sadd.s32 @!p0 s3, s7;
	s7 =	simm.s32 @!p0 $0x108  }
0x21: {  	s3 =	sadd.s32 s3, s9;
	s6 =	sadd.s32 @!p0 $0x88, s6;
	s7 =	simm.s32 @p2 $0x1082  }
0x22: {  	[simem:s7], [sflag:s8] =	dma.local @!p0 [hbm:s6], $0xF7A  }
0x23: {  	s9 =	sor.u32 $0xD0000000, s2;
	s6 =	simm.s32 $0x108;
	_ =	swait.ge @!p0 [sflag:s8], $0x0  }
0x24: {  	s3 =	sadd.s32 $0x88, s3;
	s6 =	simm.s32 @!p1 $0x1082;
	[sflag:s4] =	ssyncset.s32 $0xFFFFF086  }
0x25: {  	[simem:s6], [sflag:s4] =	dma.local [hbm:s3], $0xF7A  }
0x26: {  	[smem:$0x3F9F] =	sst s1;
	(tag) =	ssettag s2;
	_ =	strace s9  }
0x27: {  	s1 =	sld [smem:$0x3FAF]  }
0x28: {  	s2 =	sld [smem:$0x3FB0]  }
0x29: {  	s4 =	sld [smem:$0x3FB2]  }
0x2a: {  	p0 =	seq.s32 s5, $0x0;
	s5 =	sld [smem:$0x3FB3]  }
0x2b: {  	s6 =	sld [smem:$0x3FB4]  }
0x2c: {  	s7 =	sld [smem:$0x3FB5]  }
0x2d: {  	s3 =	simm.s32 $0x108;
	s8 =	sld [smem:$0x3FB6]  }
0x2e: {  	s3 =	simm.s32 @!p0 $0x1082;
	s9 =	sld [smem:$0x3FB7]  }
0x2f: {  	lr =	sadd.s32 s0, s3;
	s0 =	sld [smem:$0x3FAE]  }
0x30: {  	s3 =	sld [smem:$0x3FB1]  }
0x31: {  	[smem:$0x3FBA] =	sst s10  }
0x32: {  	s10 =	sld [smem:$0x3FB8];
	_ =	sdelay $0x3  }
0x33: {  	p0 =	seq.s32 s10, $0x1;
	s10 =	sld [smem:$0x3FBA];
	_ =	sdelay $0x3  }
0x34: {  	[smem:$0x3FBA] =	sst s10  }
0x35: {  	s10 =	sld [smem:$0x3FB9];
	_ =	sdelay $0x3  }
0x36: {  	p1 =	seq.s32 s10, $0x1;
	s10 =	sld [smem:$0x3FBA];
	_ =	sdelay $0x3  }
0x37: {  	[smem:$0x3FBA] =	sst s10  }
0x38: {  	s10 =	sld [smem:$0x3FBB]  }
0x39: {  	_ = 	snop;
	(pc) =	sbr.ind lr, $3  }
0x3a: {  	_ = 	snop  }
0x3b: {  	_ = 	snop  }
0x3c: {  	p2 =	seq.s32 s10, $0x1;
	s10 =	sld [smem:$0x3FBA]  }
0x3d: {  	_ =	shalt  }
0x3e: {  	_ =	shalt  }
0x3f: {  	_ =	shalt  }
0x40: {  	_ =	shalt  }
0x41: {  	_ =	shalt  }
0x42: {  	_ =	shalt  }
0x43: {  	_ =	shalt  }
0x44: {  	_ =	shalt  }
0x45: {  	_ =	shalt  }
0x46: {  	_ =	shalt  }
0x47: {  	_ =	shalt  }
0x48: {  	_ =	shalt  }
0x49: {  	_ =	shalt  }
0x4a: {  	_ =	shalt  }
0x4b: {  	_ =	shalt  }
0x4c: {  	_ =	shalt  }
0x4d: {  	_ =	shalt  }
0x4e: {  	_ =	shalt  }
0x4f: {  	_ =	shalt  }
0x50: {  	_ =	shalt  }
0x51: {  	_ =	shalt  }
0x52: {  	_ =	shalt  }
0x53: {  	_ =	shalt  }
0x54: {  	_ =	shalt  }
0x55: {  	_ =	shalt  }
0x56: {  	_ =	shalt  }
0x57: {  	_ =	shalt  }
0x58: {  	_ =	shalt  }
0x59: {  	_ =	shalt  }
0x5a: {  	_ =	shalt  }
0x5b: {  	_ =	shalt  }
0x5c: {  	_ =	shalt  }
0x5d: {  	_ =	shalt  }
0x5e: {  	_ =	shalt  }
0x5f: {  	_ =	shalt  }
0x60: {  	_ =	shalt  }
0x61: {  	_ =	shalt  }
0x62: {  	_ =	shalt  }
0x63: {  	_ =	shalt  }
0x64: {  	_ =	shalt  }
0x65: {  	_ =	shalt  }
0x66: {  	_ =	shalt  }
0x67: {  	_ =	shalt  }
0x68: {  	_ =	shalt  }
0x69: {  	_ =	shalt  }
0x6a: {  	_ =	shalt  }
0x6b: {  	_ =	shalt  }
0x6c: {  	_ =	shalt  }
0x6d: {  	_ =	shalt  }
0x6e: {  	_ =	shalt  }
0x6f: {  	_ =	shalt  }
0x70: {  	_ =	shalt  }
0x71: {  	_ =	shalt  }
0x72: {  	_ =	shalt  }
0x73: {  	_ =	shalt  }
0x74: {  	_ =	shalt  }
0x75: {  	_ =	shalt  }
0x76: {  	_ =	shalt  }
0x77: {  	_ =	shalt  }
0x78: {  	_ =	shalt  }
0x79: {  	_ =	shalt  }
0x7a: {  	_ =	shalt  }
0x7b: {  	_ =	shalt  }
0x7c: {  	_ =	shalt  }
0x7d: {  	_ =	shalt  }
0x7e: {  	_ =	shalt  }
0x7f: {  	_ =	shalt  }
0x80: {  	_ =	shalt  }
0x81: {  	_ =	shalt  }
0x82: {  	_ =	shalt  }
0x83: {  	_ =	shalt  }
0x84: {  	_ =	shalt  }
0x85: {  	_ =	shalt  }
0x86: {  	_ =	shalt  }
0x87: {  	_ =	shalt  }
.Lfunc_end0:
.L_simem_size_0:
called_computation_lowered:
.L_overlay_start_0:
0x88: {  	s2 =	sld [smem:$0x3FD9]  }
0x89: {  	s3 =	sld [smem:$0x3FFE];
	_ =	sdelay $0x1  }
0x8a: {  	s1 =	srdreg.scid  }
0x8b: {  	s0 =	sand.u32 $0x1, s1  }
0x8c: {  	s17 =	sshll.u32 s0, $0xA;
	s2 =	sadd.s32 s3, s2  }
0x8d: {  	s2 =	sadd.s32 s2, s17  }
0x8e: {  	[smem:$0x3FC6] =	sst s2  }
0x8f: {  	_ = 	snop  }
0x90: {  	s2 =	sld [smem:$0x3FD0];
	(tm) =	ssettm $0x1  }
0x91: {  	s18 =	sld [smem:$0x3FFB];
	_ =	sdelay $0x3  }
0x92: {  	_ =	strace s18  }
0x93: {  	s3 =	sld [smem:$0x3FFC];
	_ =	sdelay $0x3  }
0x94: {  	_ =	strace s3  }
0x95: {  	s3 =	sld [smem:$0x3FFD];
	_ =	sdelay $0x3  }
0x96: {  	_ =	strace s3  }
0x97: {  	_ =	strace $0x8FFFFFFF  }
0x98: {  	s19 =	sld [smem:$0x3FDB];
	_ =	sdelay $0x1  }
0x99: {  	s4 =	simm.s32 $_scs_section_size  }
0x9a: {  	s5 =	simm.s32 $_size__tile_overlayer_lowered;
	s6 =	simm.s32 $_tile_overlayer_lowered  }
0x9b: {  	s22 =	simm.s32 $0x1BFF;
	s21 =	sshll.u32 s6, $0x1;
	s3 =	sadd.s32 s4, s19  }
0x9c: {  	s7 =	simm.s32 $0x0;
	s20 =	sshll.u32 s5, $0x1;
	s5 =	sadd.s32 s21, s3  }
0x9d: {  	[timem:s7], [sflag:s22] =	dma.local [hbm:s5], s20  }
0x9e: {  	_ =	swait.ge [sflag:s22], s20  }
0x9f: {  	s4 =	ssub.s32 $0x0, s20;
	[sflag:s22] =	ssyncset.done $0x0  }
0xa0: {  	[sflag:s22] =	ssyncadd.s32 s4;
	_ =	sdelay $0x1  }
0xa1: {  	s23 =	simm.s32 $0x1B8B  }
0xa2: {  	_ =	swait.ge [sflag:s23], $0x1  }
0xa3: {  	[sflag:s23] =	ssyncset.done $0x0  }
0xa4: {  	s25 =	simm.s32 $0x1B8E;
	s24 =	sld [smem:$0x3FFE];
	[sflag:s23] =	ssyncadd.s32 $0xFFFFFFFF  }
0xa5: {  	s26 =	simm.s32 $execute0_lowered;
	[smem:$0x3FD2] =	sst s25  }
0xa6: {  	s5 =	sshll.u32 s26, $0x1;
	_ =	strace $0x80000049;
	[dreg:$0x1] =	wrdreg $0xFFFFFFFF  }
0xa7: {  	s28 =	simm.s32 $_size_execute0_lowered;
	s3 =	sadd.s32 s3, s5;
	[dreg:$0x0] =	wrdreg $0x0  }
0xa8: {  	s5 =	sshll.u32 s28, $0x1;
	[dreg:$0x2] =	wrdreg s3  }
0xa9: {  	[dreg:$0x3] =	wrdreg s5  }
0xaa: {  	[dreg:$0x4] =	wrdreg $0xC0  }
0xab: {  	_ =	task [dreg:s7], $0x5FFFF  }
0xac: {  	[dreg:$0x1] =	wrdreg $0xFFFFFFFF  }
0xad: {  	[dreg:$0x0] =	wrdreg $0x60  }
0xae: {  	[dreg:$0x2] =	wrdreg s24  }
0xaf: {  	[dreg:$0x3] =	wrdreg s2  }
0xb0: {  	[dreg:$0x4] =	wrdreg $0x9  }
0xb1: {  	_ =	task.clear_ibuf [dreg:s7], $0x5FFFF;
	_ =	strace $0x90000049  }
0xb2: {  	s29 =	simm.s32 $0x9;
	_ =	strace $0x8000004B  }
0xb3: {  	_ =	swait.ge [sflag:s29], $0x1  }
0xb4: {  	[sflag:s29] =	ssyncadd.s32 $0xFFFFFFFF  }
0xb5: {  	_ =	strace $0x9000004B  }
0xb6: {  	_ =	sfence  }
0xb7: {  	s30 =	sld [smem:$0x0];
	_ =	sdelay $0x2  }
0xb8: {  	s31 =	sshll.u32 s1, $0xD;
	s1 =	sshrl.u32 s1, $0x2  }
0xb9: {  	s3 =	sand.u32 $0x4000, s31;
	s1 =	sadd.s32 s1, s30  }
0xba: {  	s0 =	sor.u32 s3, s0;
	s1 =	sshll.u32 s1, $0x11  }
0xbb: {  	s0 =	sor.u32 s1, s0  }
0xbc: {  	s0 =	sadd.s32 $0x8F2B, s0  }
0xbd: {  	[sflag:s0] =	ssyncadd.remote.s32 $0x1  }
0xbe: {  	_ =	sfence.sel $0xFFFF  }
0xbf: {  	[dreg:$0x0] =	wrdreg $0xFFFFFFFF;
	(pc) =	sbr.abs _section_cstart, $3  }
0xc0: {  	[dreg:$0x1] =	wrdreg $0xFFFFFFFF  }
0xc1: {  	_ =	task.clear_ibuf [dreg:s7], $0x2FFFF;
	_ =	strace $0x9FFFFFFF  }
0xc2: {  	(tm) =	ssettm $0x7FFFFFFF  }
0xc3: {  	_ =	shalt  }
tec
execute0_lowered:
.L_overlay_start_1:
0x0: {  	(tag) =	ssettag $0x1  }
0x1: {  	s1 =	srdreg.scid;
	s2 =	rddreg [dreg:$0x0]  }
0x2: {  	s0 =	stileid.u32;
	s3 =	rddreg [dreg:$0x1]  }
0x3: {  	s6 =	simm.s32 $0x1;
	s9 =	simm.s32 $0x1;
	s1 =	sshll.u32 s1, $0x7  }
0x4: {  	s10 =	simm.s32 $0x3;
	s4 =	sshll.u32 s0, $0x8;
	s5 =	sand.u32 $0x80, s1  }
0x5: {  	s13 =	simm.s32 $0x0;
	s12 =	simm.s32 $0x0;
	s4 =	sor.u32 s4, s5  }
0x6: {  	s1 =	rddreg [dreg:$0x2];
	_ =	strace $0x8000004A;
	s8 =	ssub.s32 $0x2000, s4  }
.Ltmp0:
0x7: {  	s5 =	sadd.s32 $0x400, s2;
	s7 =	sand.u32 $0xF80, s8;
	(pc) =	sbr.rel .LBB2_1-.Ltmp0, $4  }
0x8: {  	[sflag:s6] =	ssyncpa.u1 $0x0;
	s11 =	smov.u32 s4;
	p0 =	sne.s32 s7, $0x0  }
0x9: {  	s8 =	sshrl.u32 s8, $0xC;
	s7 =	simm.s32 $0x2;
	s9 =	simm.s32 @!p0 $0x0  }
0xa: {  	[sflag:s7] =	ssyncpa.u1 $0x0;
	p0 =	por $0x0, $0x0;
	s8 =	sadd.s32 s9, s8  }
0xb: {  	vm0 =	vmmov $0xffff;
	[sflag:s10] =	ssyncpa.u1 $0x0;
	s10 =	simm.s32 $0x0;
	s9 =	sadd.s32 $0x1, s8  }
.LBB2_4:
0xc: {  	v2 =	vnsel vm1, $0x0, v2  }
0xd: {  	vm1 =	vgt.s32 v0, $0x0;
	v2 =	vmin.u32 v2, $0x1FFF  }
0xe: {  	v0 =	vnsel vm1, $0x0, v0  }
0xf: {  	v0 =	vmin.u32 v0, $0x1FFF  }
0x10: {  	[tilespmem:s15], [sflag:$0x1] =	stream.indirect_vreg.gather [hbm4b:s2+s10], $0x1, v1, vm0, $0x4038;
	[tilespmem:$0x200] =	vst v63  }
0x11: {  	(ifvalue) =	ssetifvalue $0x7FFFFFFF  }
0x12: {  	[tilespmem:s16], [sflag:$0x1] =	stream.indirect_vreg.gather [hbm4b:s2+s10], $0x1, v2, vm0, $0x4038;
	[tilespmem:$0x200] =	vst v63  }
0x13: {  	s29 =	sadd.s32 $0x10, s16;
	(ifvalue) =	ssetifvalue $0x7FFFFFFF  }
0x14: {  	[tilespmem:s29], [sflag:$0x1] =	stream.indirect_vreg.gather [hbm4b:s2+s10], $0x1, v0, vm0, $0x4038;
	[tilespmem:$0x200] =	vst v63  }
0x15: {  	_ =	swait.ge [sflag:s6], $0x80  }
0x16: {  	s30 =	sshrl.u32 s13, $0x3;
	[sflag:s6] =	ssyncset.done $0x0  }
0x17: {  	s31 =	sand.u32 $0x7, s13;
	s15 =	sadd.s32 s5, s30;
	[sflag:s6] =	ssyncadd.s32 $0xFFFFFF80  }
0x18: {  	[hbm4b:s15+s31] =	stream.linear.scatter [tilespmem:s14], [sflag:$0x3], $0x80, $0x38;
	[tilespmem:$0x200] =	vst v63  }
.LBB2_5:
0x19: {  	s15 =	sadd.s32 $0x1000, s11  }
0x1a: {  	p2 =	sgt.s32 s15, $0x1FFF  }
0x1b: {  	s15 =	smov.u32 @p2 s4;
	p2 =	sne.s32 s12, s9  }
.Ltmp1:
0x1c: {  	p1 =	slt.u32 s12, $0x2;
	(pc) =	sbr.rel @!p2 .LBB2_6-.Ltmp1, $4  }
0x1d: {  	s14 =	simm.s32 @!p1 $0x3  }
0x1e: {  	s16 =	sadd.s32 $0x1, s12;
	_ =	swait.ge @!p1 [sflag:s14], $0x80  }
0x1f: {  	s13 =	smov.u32 s11;
	p0 =	por !p0, !p0;
	[sflag:s14] =	ssyncset.done @!p1 $0x0  }
0x20: {  	s12 =	smov.u32 s16;
	s11 =	smov.u32 s15;
	[sflag:s14] =	ssyncadd.s32 @!p1 $0xFFFFFF80  }
.LBB2_1:
0x21: {  	p1 =	sge.u32 s12, s8  }
0x22: {  	s14 =	sxor.u32 @!p1 $0xFFFFFFFF, s12  }
0x23: {  	s31 =	sadd.s32 $0xFFFFFFFF, s12;
	s15 =	sshrl.u32 @!p1 s11, $0x3;
	s14 =	sshll.u32 @!p1 s14, $0x7  }
0x24: {  	s16 =	sand.u32 @!p1 $0x7, s11;
	s15 =	sadd.s32 @!p1 s3, s15;
	s14 =	sand.u32 @!p1 $0x80, s14  }
0x25: {  	[tilespmem:s14], [sflag:$0x2] =	stream.linear.gather @!p1 [hbm4b:s15+s16], $0x80, $0x38;
	[tilespmem:$0x200] =	vst v63  }
0x26: {  	p1 =	sge.u32 s31, s8  }
.Ltmp2:
0x27: {  	_ = 	snop;
	(pc) =	sbr.rel @p1 .LBB2_5-.Ltmp2, $1  }
0x28: {  	_ =	sdelay $0x3  }
0x29: {  	s14 =	simm.s32 $0x1  }
0x2a: {  	_ =	swait.ge [sflag:s7], $0x80;
	s14 =	simm.s32 @!p0 $0x0  }
0x2b: {  	[sflag:s7] =	ssyncset.done $0x0;
	s14 =	sshll.u32 s14, $0x7  }
0x2c: {  	[sflag:s7] =	ssyncadd.s32 $0xFFFFFF80;
	(ifvalue) =	ssetifvalue $0x7FFFFFFF;
	v0 =	vld.msk [tilespmem:s14+$0x0 ss:$0x1], $0xffff;
	_ =	sdelay $0x4  }
0x2d: {  	s15 =	sadd.s32 $0x10, s14;
	vm1 =	vgt.s32 v0, $0x0  }
0x2e: {  	v2 =	vld.msk [tilespmem:s15+$0x0 ss:$0x1], $0xffff;
	v1 =	vnsel vm1, $0x0, v0  }
0x2f: {  	v1 =	vmin.u32 v1, $0x1FFF;
	_ =	sdelay $0x1  }
0x30: {  	s16 =	sshll.u32 s12, $0x7;
	s18 =	simm.s32 $0x20  }
0x31: {  	s16 =	sand.u32 $0x80, s16;
	s17 =	sadd.s32 $0x10, s15;
	s15 =	sor.u32 $0x100, s14  }
0x32: {  	s14 =	sor.u32 $0x100, s16;
	s16 =	sadd.s32 $0x10, s15;
	v0 =	vld.msk [tilespmem:s17+$0x0 ss:$0x1], $0xffff;
	vm1 =	vgt.s32 v2, $0x0;
	(ifvalue) =	ssetifvalue $0x7FFFFFFF  }
.LBB2_3:
0x33: {  	[tilespmem:s15], [sflag:$0x1] =	stream.indirect_vreg.gather [hbm4b:s2+s10], $0x1, v1, vm0, $0x4038;
	[tilespmem:$0x200] =	vst v63  }
0x34: {  	s18 =	sadd.s32 $0x10, s18  }
0x35: {  	v2 =	vnsel vm1, $0x0, v2;
	p1 =	slt.u32 s18, $0x70  }
.Ltmp3:
0x36: {  	s15 =	smov.u32 s16;
	v1 =	vmin.u32 v2, $0x1FFF;
	(pc) =	sbr.rel @p1 .LBB2_3-.Ltmp3, $3  }
0x37: {  	_ =	sdelay $0x1  }
0x38: {  	s17 =	sadd.s32 $0x10, s17  }
0x39: {  	vm1 =	vgt.s32 v0, $0x0;
	s16 =	sadd.s32 $0x10, s16;
	v2 =	vmov v0;
	(ifvalue) =	ssetifvalue $0x7FFFFFFF;
	v0 =	vld.msk [tilespmem:s17+$0x0 ss:$0x1], $0xffff  }
.Ltmp4:
0x3a: {  	_ = 	snop;
	(pc) =	sbr.rel .LBB2_4-.Ltmp4, $1  }
0x3b: {  	_ =	sdelay $0x3  }
.LBB2_6:
0x3c: {  	_ =	sfence.sel $0x180000  }
0x3d: {  	s2 =	simm.s32 $0x2;
	[bflag:$0x0] =	sbarrier.arrive $0xFFFF  }
0x3e: {  	s30 =	simm.s32 $0x3;
	[sflag:s2] =	ssyncpa.u1 $0x1  }
0x3f: {  	s31 =	simm.s32 $0x1;
	[sflag:s30] =	ssyncpa.u1 $0x1  }
0x40: {  	[sflag:s31] =	ssyncpa.u1 $0x1  }
0x41: {  	p0 =	sne.s32 s0, $0x0;
	_ =	strace $0x9000004A  }
0x42: {  	s0 =	sadd.s32 @!p0 $0x100000, s1;
	[bflag:$0x2] =	sbarrier.arrive $0xFFFF  }
0x43: {  	[sflag:s0] =	ssyncadd.tile.s32 @!p0 $0x1;
	_ =	shalt  }
.Lfunc_end2:
_tile_overlayer_lowered:
.L_overlay_start_2:
0x44: {  	(tag) =	ssettag $0x2  }
0x45: {  	s0 =	rddreg [dreg:$0x0];
	s2 =	stileid.u32  }
0x46: {  	s1 =	rddreg [dreg:$0x1];
	p0 =	sne.s32 s2, $0x0  }
0x47: {  	s3 =	rddreg [dreg:$0x2];
	[bflag:$0x3] =	sbarrier.arrive $0xFFFF;
	s2 =	simm.s32 @!p0 $0x1C01  }
0x48: {  	[timem:s3], [sflag:s2] =	dma.local @!p0 [hbm:s0], s1  }
0x49: {  	s0 =	simm.s32 @!p0 $0x1  }
0x4a: {  	_ =	swait.ge @!p0 [sflag:s0], s1  }
0x4b: {  	s1 =	ssub.s32 @!p0 $0x0, s1;
	[sflag:s0] =	ssyncset.done @!p0 $0x0  }
0x4c: {  	[sflag:s0] =	ssyncadd.s32 @!p0 s1  }
0x4d: {  	[bflag:$0x3] =	sbarrier.arrive $0xFFFF  }
0x4e: {  	_ =	shalt  }

// kernel: kernel.3.cloned.1.call-start
scs
__scs_entry_jumppad:
0x0: {  	(pc) =	sbr.rel $0x88, $3  }
0x1: {  	(tag) =	ssettag $0x0;
	lr =	simm.s32 $0x1  }
0x2: {  	[smem:$0x3F9F] =	sst lr;
	_ =	strace $0xD0000000  }
0x3: {  	_ = 	snop  }
0x4: {  	_ = 	snop  }
0x5: {  	_ = 	snop  }
0x6: {  	_ = 	snop  }
0x7: {  	_ = 	snop  }
__scs_overlays_trampoline_lowered:
0x8: {  	[smem:$0x3FAE] =	sst s0  }
0x9: {  	[smem:$0x3FAF] =	sst s1  }
0xa: {  	[smem:$0x3FB0] =	sst s2  }
0xb: {  	[smem:$0x3FB1] =	sst s3  }
0xc: {  	[smem:$0x3FB2] =	sst s4  }
0xd: {  	[smem:$0x3FB3] =	sst s5  }
0xe: {  	[smem:$0x3FB4] =	sst s6  }
0xf: {  	[smem:$0x3FB5] =	sst s7  }
0x10: {  	[smem:$0x3FB6] =	sst s8  }
0x11: {  	[smem:$0x3FB7] =	sst s9;
	s0 =	simm.s32 @!p0 $0x0  }
0x12: {  	s1 =	sld [smem:$0x3F9D];
	s0 =	simm.s32 @p0 $0x1  }
0x13: {  	[smem:$0x3FB8] =	sst s0;
	s0 =	simm.s32 @!p1 $0x0  }
0x14: {  	s2 =	sld [smem:$0x3F9C];
	s0 =	simm.s32 @p1 $0x1  }
0x15: {  	[smem:$0x3FB9] =	sst s0;
	s0 =	simm.s32 @!p2 $0x0  }
0x16: {  	s3 =	sld [smem:$0x3FDB];
	s0 =	simm.s32 @p2 $0x1  }
0x17: {  	s4 =	simm.s32 $0x1BF5;
	[smem:$0x3FBB] =	sst s0  }
0x18: {  	s0 =	sld [smem:$0x3F9E];
	_ =	swait.ge [sflag:s4], $0x0  }
0x19: {  	s7 =	sld [smem:$0x3F9F]  }
0x1a: {  	s8 =	sadd.s32 $0xFFFFE003, lr  }
0x1b: {  	s9 =	sadd.s32 $0xFFFFFEF7, lr;
	s5 =	simm.s32 $0xFFFFFFFF;
	p2 =	slt.u32 s8, $0xFFFFF086  }
0x1c: {  	p1 =	slt.u32 s9, $0xF7A;
	s5 =	simm.s32 @!p2 $0x0  }
0x1d: {  	s5 =	simm.s32 @p1 $0x1;
	p0 =	seq.s32 s7, s2  }
0x1e: {  	s7 =	smul.u32 @!p0 $0xF7A, s2;
	p2 =	seq.s32 @!p0 s5, $0x0  }
0x1f: {  	s9 =	smul.u32 $0xF7A, s1;
	s8 =	simm.s32 @!p0 $0x1BF5;
	p2 =	por !p2, p0  }
0x20: {  	[sflag:s8] =	ssyncset.s32 @!p0 $0xFFFFF086;
	s6 =	sadd.s32 @!p0 s3, s7;
	s7 =	simm.s32 @!p0 $0x108  }
0x21: {  	s3 =	sadd.s32 s3, s9;
	s6 =	sadd.s32 @!p0 $0x88, s6;
	s7 =	simm.s32 @p2 $0x1082  }
0x22: {  	[simem:s7], [sflag:s8] =	dma.local @!p0 [hbm:s6], $0xF7A  }
0x23: {  	s9 =	sor.u32 $0xD0000000, s2;
	s6 =	simm.s32 $0x108;
	_ =	swait.ge @!p0 [sflag:s8], $0x0  }
0x24: {  	s3 =	sadd.s32 $0x88, s3;
	s6 =	simm.s32 @!p1 $0x1082;
	[sflag:s4] =	ssyncset.s32 $0xFFFFF086  }
0x25: {  	[simem:s6], [sflag:s4] =	dma.local [hbm:s3], $0xF7A  }
0x26: {  	[smem:$0x3F9F] =	sst s1;
	(tag) =	ssettag s2;
	_ =	strace s9  }
0x27: {  	s1 =	sld [smem:$0x3FAF]  }
0x28: {  	s2 =	sld [smem:$0x3FB0]  }
0x29: {  	s4 =	sld [smem:$0x3FB2]  }
0x2a: {  	p0 =	seq.s32 s5, $0x0;
	s5 =	sld [smem:$0x3FB3]  }
0x2b: {  	s6 =	sld [smem:$0x3FB4]  }
0x2c: {  	s7 =	sld [smem:$0x3FB5]  }
0x2d: {  	s3 =	simm.s32 $0x108;
	s8 =	sld [smem:$0x3FB6]  }
0x2e: {  	s3 =	simm.s32 @!p0 $0x1082;
	s9 =	sld [smem:$0x3FB7]  }
0x2f: {  	lr =	sadd.s32 s0, s3;
	s0 =	sld [smem:$0x3FAE]  }
0x30: {  	s3 =	sld [smem:$0x3FB1]  }
0x31: {  	[smem:$0x3FBA] =	sst s10  }
0x32: {  	s10 =	sld [smem:$0x3FB8];
	_ =	sdelay $0x3  }
0x33: {  	p0 =	seq.s32 s10, $0x1;
	s10 =	sld [smem:$0x3FBA];
	_ =	sdelay $0x3  }
0x34: {  	[smem:$0x3FBA] =	sst s10  }
0x35: {  	s10 =	sld [smem:$0x3FB9];
	_ =	sdelay $0x3  }
0x36: {  	p1 =	seq.s32 s10, $0x1;
	s10 =	sld [smem:$0x3FBA];
	_ =	sdelay $0x3  }
0x37: {  	[smem:$0x3FBA] =	sst s10  }
0x38: {  	s10 =	sld [smem:$0x3FBB]  }
0x39: {  	_ = 	snop;
	(pc) =	sbr.ind lr, $3  }
0x3a: {  	_ = 	snop  }
0x3b: {  	_ = 	snop  }
0x3c: {  	p2 =	seq.s32 s10, $0x1;
	s10 =	sld [smem:$0x3FBA]  }
0x3d: {  	_ =	shalt  }
0x3e: {  	_ =	shalt  }
0x3f: {  	_ =	shalt  }
0x40: {  	_ =	shalt  }
0x41: {  	_ =	shalt  }
0x42: {  	_ =	shalt  }
0x43: {  	_ =	shalt  }
0x44: {  	_ =	shalt  }
0x45: {  	_ =	shalt  }
0x46: {  	_ =	shalt  }
0x47: {  	_ =	shalt  }
0x48: {  	_ =	shalt  }
0x49: {  	_ =	shalt  }
0x4a: {  	_ =	shalt  }
0x4b: {  	_ =	shalt  }
0x4c: {  	_ =	shalt  }
0x4d: {  	_ =	shalt  }
0x4e: {  	_ =	shalt  }
0x4f: {  	_ =	shalt  }
0x50: {  	_ =	shalt  }
0x51: {  	_ =	shalt  }
0x52: {  	_ =	shalt  }
0x53: {  	_ =	shalt  }
0x54: {  	_ =	shalt  }
0x55: {  	_ =	shalt  }
0x56: {  	_ =	shalt  }
0x57: {  	_ =	shalt  }
0x58: {  	_ =	shalt  }
0x59: {  	_ =	shalt  }
0x5a: {  	_ =	shalt  }
0x5b: {  	_ =	shalt  }
0x5c: {  	_ =	shalt  }
0x5d: {  	_ =	shalt  }
0x5e: {  	_ =	shalt  }
0x5f: {  	_ =	shalt  }
0x60: {  	_ =	shalt  }
0x61: {  	_ =	shalt  }
0x62: {  	_ =	shalt  }
0x63: {  	_ =	shalt  }
0x64: {  	_ =	shalt  }
0x65: {  	_ =	shalt  }
0x66: {  	_ =	shalt  }
0x67: {  	_ =	shalt  }
0x68: {  	_ =	shalt  }
0x69: {  	_ =	shalt  }
0x6a: {  	_ =	shalt  }
0x6b: {  	_ =	shalt  }
0x6c: {  	_ =	shalt  }
0x6d: {  	_ =	shalt  }
0x6e: {  	_ =	shalt  }
0x6f: {  	_ =	shalt  }
0x70: {  	_ =	shalt  }
0x71: {  	_ =	shalt  }
0x72: {  	_ =	shalt  }
0x73: {  	_ =	shalt  }
0x74: {  	_ =	shalt  }
0x75: {  	_ =	shalt  }
0x76: {  	_ =	shalt  }
0x77: {  	_ =	shalt  }
0x78: {  	_ =	shalt  }
0x79: {  	_ =	shalt  }
0x7a: {  	_ =	shalt  }
0x7b: {  	_ =	shalt  }
0x7c: {  	_ =	shalt  }
0x7d: {  	_ =	shalt  }
0x7e: {  	_ =	shalt  }
0x7f: {  	_ =	shalt  }
0x80: {  	_ =	shalt  }
0x81: {  	_ =	shalt  }
0x82: {  	_ =	shalt  }
0x83: {  	_ =	shalt  }
0x84: {  	_ =	shalt  }
0x85: {  	_ =	shalt  }
0x86: {  	_ =	shalt  }
0x87: {  	_ =	shalt  }
.Lfunc_end0:
.L_simem_size_0:
called_computation.2_lowered:
.L_overlay_start_0:
0x88: {  	s2 =	sld [smem:$0x3FD9]  }
0x89: {  	s3 =	sld [smem:$0x3FFE];
	_ =	sdelay $0x1  }
0x8a: {  	s1 =	srdreg.scid  }
0x8b: {  	s0 =	sand.u32 $0x1, s1  }
0x8c: {  	s17 =	sshll.u32 s0, $0xA;
	s2 =	sadd.s32 s3, s2  }
0x8d: {  	s2 =	sadd.s32 s2, s17  }
0x8e: {  	[smem:$0x3FC6] =	sst s2  }
0x8f: {  	_ = 	snop  }
0x90: {  	s2 =	sld [smem:$0x3FC8]  }
0x91: {  	s18 =	sld [smem:$0x3FD0];
	(tm) =	ssettm $0x1  }
0x92: {  	s4 =	sld [smem:$0x3FFB];
	_ =	sdelay $0x3  }
0x93: {  	_ =	strace s4  }
0x94: {  	s4 =	sld [smem:$0x3FFC];
	_ =	sdelay $0x3  }
0x95: {  	_ =	strace s4  }
0x96: {  	s4 =	sld [smem:$0x3FFD];
	_ =	sdelay $0x3  }
0x97: {  	_ =	strace s4  }
0x98: {  	_ =	strace $0x8FFFFFFF  }
0x99: {  	s19 =	sld [smem:$0x3FDB];
	_ =	sdelay $0x1  }
0x9a: {  	s5 =	simm.s32 $_scs_section_size  }
0x9b: {  	s6 =	simm.s32 $_size__tile_overlayer_lowered;
	s7 =	simm.s32 $_tile_overlayer_lowered  }
0x9c: {  	s22 =	simm.s32 $0x1BFF;
	s21 =	sshll.u32 s7, $0x1;
	s4 =	sadd.s32 s5, s19  }
0x9d: {  	s8 =	simm.s32 $0x0;
	s20 =	sshll.u32 s6, $0x1;
	s6 =	sadd.s32 s21, s4  }
0x9e: {  	[timem:s8], [sflag:s22] =	dma.local [hbm:s6], s20  }
0x9f: {  	_ =	swait.ge [sflag:s22], s20  }
0xa0: {  	s5 =	ssub.s32 $0x0, s20;
	[sflag:s22] =	ssyncset.done $0x0  }
0xa1: {  	[sflag:s22] =	ssyncadd.s32 s5;
	_ =	sdelay $0x1  }
0xa2: {  	s23 =	simm.s32 $0x1B8B  }
0xa3: {  	_ =	swait.ge [sflag:s23], $0x1  }
0xa4: {  	[sflag:s23] =	ssyncset.done $0x0  }
0xa5: {  	s25 =	simm.s32 $0x1B8E;
	s24 =	sld [smem:$0x3FFE];
	[sflag:s23] =	ssyncadd.s32 $0xFFFFFFFF  }
0xa6: {  	s26 =	simm.s32 $execute0_lowered;
	[smem:$0x3FD2] =	sst s25  }
0xa7: {  	s6 =	sshll.u32 s26, $0x1;
	_ =	strace $0x8000004C;
	[dreg:$0x1] =	wrdreg $0xFFFFFFFF  }
0xa8: {  	s28 =	simm.s32 $_size_execute0_lowered;
	s4 =	sadd.s32 s4, s6;
	[dreg:$0x0] =	wrdreg $0x0  }
0xa9: {  	s6 =	sshll.u32 s28, $0x1;
	[dreg:$0x2] =	wrdreg s4  }
0xaa: {  	[dreg:$0x3] =	wrdreg s6  }
0xab: {  	[dreg:$0x4] =	wrdreg $0xC0  }
0xac: {  	_ =	task [dreg:s8], $0x5FFFF  }
0xad: {  	[dreg:$0x1] =	wrdreg $0xFFFFFFFF  }
0xae: {  	[dreg:$0x0] =	wrdreg $0x60  }
0xaf: {  	[dreg:$0x2] =	wrdreg s2  }
0xb0: {  	[dreg:$0x3] =	wrdreg s24  }
0xb1: {  	[dreg:$0x4] =	wrdreg s18  }
0xb2: {  	[dreg:$0x5] =	wrdreg $0x9  }
0xb3: {  	_ =	task.clear_ibuf [dreg:s8], $0x6FFFF;
	_ =	strace $0x9000004C  }
0xb4: {  	s29 =	simm.s32 $0x9;
	_ =	strace $0x8000004E  }
0xb5: {  	_ =	swait.ge [sflag:s29], $0x1  }
0xb6: {  	[sflag:s29] =	ssyncadd.s32 $0xFFFFFFFF  }
0xb7: {  	_ =	strace $0x9000004E  }
0xb8: {  	_ =	sfence  }
0xb9: {  	s30 =	sld [smem:$0x0];
	_ =	sdelay $0x2  }
0xba: {  	s31 =	sshll.u32 s1, $0xD;
	s1 =	sshrl.u32 s1, $0x2  }
0xbb: {  	s3 =	sand.u32 $0x4000, s31;
	s1 =	sadd.s32 s1, s30  }
0xbc: {  	s0 =	sor.u32 s3, s0;
	s1 =	sshll.u32 s1, $0x11  }
0xbd: {  	s0 =	sor.u32 s1, s0  }
0xbe: {  	s0 =	sadd.s32 $0x8F2B, s0  }
0xbf: {  	[sflag:s0] =	ssyncadd.remote.s32 $0x1  }
0xc0: {  	_ =	sfence.sel $0xFFFF  }
0xc1: {  	[dreg:$0x0] =	wrdreg $0xFFFFFFFF;
	(pc) =	sbr.abs _section_cstart, $3  }
0xc2: {  	[dreg:$0x1] =	wrdreg $0xFFFFFFFF  }
0xc3: {  	_ =	task.clear_ibuf [dreg:s8], $0x2FFFF;
	_ =	strace $0x9FFFFFFF  }
0xc4: {  	(tm) =	ssettm $0x7FFFFFFF  }
0xc5: {  	_ =	shalt  }
tec
execute0_lowered:
.L_overlay_start_1:
0x0: {  	(tag) =	ssettag $0x1  }
0x1: {  	s1 =	rddreg [dreg:$0x0]  }
0x2: {  	s0 =	rddreg [dreg:$0x1]  }
0x3: {  	s2 =	srdreg.scid;
	s3 =	stileid.u32  }
0x4: {  	s25 =	rddreg [dreg:$0x2];
	s14 =	simm.s32 $0x12800;
	s15 =	simm.s32 $0x13000  }
0x5: {  	s16 =	simm.s32 $0x13800;
	s17 =	simm.s32 $0x14000;
	s18 =	simm.s32 $0x14800  }
0x6: {  	s19 =	simm.s32 $0x15000;
	s20 =	simm.s32 $0x15800;
	s21 =	simm.s32 $0x16000  }
0x7: {  	s24 =	simm.s32 $0x17000;
	s26 =	simm.s32 $0x17800;
	s29 =	simm.s32 $0x4800  }
0x8: {  	s30 =	simm.s32 $0x5000;
	s31 =	simm.s32 $0x5800;
	s28 =	simm.s32 $0x400  }
0x9: {  	s2 =	sand.u32 $0x1, s2;
	s4 =	sshll.u32 s3, $0x1;
	s23 =	sshrl.u32 s3, $0x2  }
0xa: {  	s7 =	sadd.s32 $0x400, s1;
	s5 =	sor.u32 s2, s4;
	s4 =	simm.s32 $0x0  }
0xb: {  	s8 =	sadd.s32 $0x600, s1;
	s9 =	sadd.s32 $0x800, s1;
	[smem:$0x7FF] =	sst s4  }
0xc: {  	s10 =	sadd.s32 $0xA00, s1;
	_ =	strace $0x8000004D;
	[dreg:$0x5] =	wrdreg s14  }
0xd: {  	s11 =	sadd.s32 $0xC00, s1;
	s12 =	sadd.s32 $0xE00, s1;
	[dreg:$0x6] =	wrdreg s15  }
0xe: {  	s3 =	simm.s32 $0x18000;
	s2 =	ssub.s32 $0x2, s2;
	[dreg:$0x7] =	wrdreg s16  }
0xf: {  	s6 =	sshll.u32 s5, $0xA;
	s22 =	sshrl.u32 s2, $0x1;
	[dreg:$0x8] =	wrdreg s17  }
0x10: {  	s5 =	sand.u32 $0x7, s5;
	s0 =	sadd.s32 s6, s0;
	[dreg:$0x9] =	wrdreg s18  }
0x11: {  	s2 =	ssub.s32 s2, s22;
	s6 =	sadd.s32 $0x200, s1;
	[dreg:$0xa] =	wrdreg s19  }
0x12: {  	s13 =	sshll.u32 s5, $0x15;
	s14 =	sadd.s32 $0x1200, s1;
	[dreg:$0xb] =	wrdreg s20  }
0x13: {  	s15 =	sadd.s32 $0x1400, s1;
	s16 =	sadd.s32 $0x1600, s1;
	[dreg:$0xc] =	wrdreg s21  }
0x14: {  	s17 =	sadd.s32 $0x1800, s1;
	s18 =	sadd.s32 $0x1A00, s1;
	[dreg:$0xe] =	wrdreg s24  }
0x15: {  	s19 =	sadd.s32 $0x1C00, s1;
	s20 =	sadd.s32 $0x1E00, s1;
	[dreg:$0xf] =	wrdreg s26  }
0x16: {  	s22 =	simm.s32 $0x16800;
	s21 =	sshll.u32 s23, $0x18;
	[dreg:$0x10] =	wrdreg s3  }
0x17: {  	s5 =	sshll.u32 s5, $0x12;
	s24 =	simm.s32 $0x19000;
	[dreg:$0x4] =	wrdreg s13  }
0x18: {  	s26 =	simm.s32 $0x19800;
	s3 =	simm.s32 $0x3000;
	[dreg:$0xd] =	wrdreg s22  }
0x19: {  	s0 =	sadd.s32 $0x800, s0;
	s13 =	sadd.s32 $0x1000, s1;
	[dreg:$0x12] =	wrdreg s24  }
0x1a: {  	s2 =	smax.u32 s2, $0x1;
	s24 =	simm.s32 $0x4;
	[dreg:$0x13] =	wrdreg s26  }
0x1b: {  	s22 =	simm.s32 $0x4000;
	[dreg:$0x14] =	wrdreg s0;
	s0 =	sshll.u32 s23, $0x15  }
0x1c: {  	s26 =	simm.s32 $0x200;
	s23 =	simm.s32 $0x18800;
	s0 =	sadd.s32 s0, s25  }
0x1d: {  	v0 =	vlaneseq.u32;
	[dreg:$0x16] =	wrdreg s2;
	s2 =	simm.s32 $0x0;
	s0 =	sadd.s32 s5, s0  }
0x1e: {  	v1 =	vshrl.u32 v0, $0x2;
	[dreg:$0x11] =	wrdreg s23;
	s23 =	simm.s32 $0x2000;
	s0 =	sadd.s32 $0x3E040, s0  }
0x1f: {  	vm0 =	vmmov $0xffff;
	v0 =	vand.u32 $0x3, v0;
	v1 =	vmul.u32 $0x8, v1;
	s5 =	simm.s32 $0x3800;
	[dreg:$0x15] =	wrdreg s0;
	s0 =	simm.s32 $0x2800  }
.LBB2_1:
0x20: {  	[dreg:$0x17] =	wrdreg s2  }
0x21: {  	s2 =	rddreg [dreg:$0x14]  }
0x22: {  	[tilespmem:s4], [sflag:$0x4] =	stream.linear.gather [hbm4b:s2+s4], $0x2000, $0x38;
	[tilespmem:$0x1A000] =	vst v63  }
0x23: {  	_ =	swait.ge [sflag:s24], $0x2000  }
0x24: {  	[sflag:s24] =	ssyncset.done $0x0  }
0x25: {  	[sflag:s24] =	ssyncadd.s32 $0xFFFFE000  }
0x26: {  	v2 =	vld.msk [tilespmem:$0x0], $0xf;
	_ =	sdelay $0x4  }
0x27: {  	v3 =	vshll.u32 v2, $0x6  }
0x28: {  	v2 =	vand.u32 $0x7, v2;
	v3 =	vand.u32 $0xFFFFFE00, v3  }
0x29: {  	v2 =	vor.u32 v2, v3  }
0x2a: {  	v2 =	vperm.xlane v2, v0;
	_ =	sdelay $0x1  }
0x2b: {  	v2 =	vadd.s32 v1, v2;
	_ =	sdelay $0x4  }
0x2c: {  	[tilespmem:s23], [sflag:$0x1] =	stream.indirect_vreg.gather [hbm4b:s1+s4], $0x80, v2, vm0, $0xb8;
	[tilespmem:$0x1A000] =	vst v63  }
0x2d: {  	_ = 	snop  }
0x2e: {  	[tilespmem:s0], [sflag:$0x1] =	stream.indirect_vreg.gather [hbm4b:s6+s4], $0x80, v2, vm0, $0xb8;
	[tilespmem:$0x1A000] =	vst v63  }
0x2f: {  	_ = 	snop  }
0x30: {  	[tilespmem:s3], [sflag:$0x1] =	stream.indirect_vreg.gather [hbm4b:s7+s4], $0x80, v2, vm0, $0xb8;
	[tilespmem:$0x1A000] =	vst v63  }
0x31: {  	_ = 	snop  }
0x32: {  	[tilespmem:s5], [sflag:$0x1] =	stream.indirect_vreg.gather [hbm4b:s8+s4], $0x80, v2, vm0, $0xb8;
	[tilespmem:$0x1A000] =	vst v63  }
0x33: {  	_ = 	snop  }
0x34: {  	[tilespmem:s22], [sflag:$0x1] =	stream.indirect_vreg.gather [hbm4b:s9+s4], $0x80, v2, vm0, $0xb8;
	[tilespmem:$0x1A000] =	vst v63  }
0x35: {  	_ = 	snop  }
0x36: {  	[tilespmem:s29], [sflag:$0x1] =	stream.indirect_vreg.gather [hbm4b:s10+s4], $0x80, v2, vm0, $0xb8;
	[tilespmem:$0x1A000] =	vst v63  }
0x37: {  	_ = 	snop  }
0x38: {  	[tilespmem:s30], [sflag:$0x1] =	stream.indirect_vreg.gather [hbm4b:s11+s4], $0x80, v2, vm0, $0xb8;
	[tilespmem:$0x1A000] =	vst v63  }
0x39: {  	_ = 	snop  }
0x3a: {  	[tilespmem:s31], [sflag:$0x1] =	stream.indirect_vreg.gather [hbm4b:s12+s4], $0x80, v2, vm0, $0xb8;
	[tilespmem:$0x1A000] =	vst v63  }
0x3b: {  	s3 =	simm.s32 $0x6000  }
0x3c: {  	[tilespmem:s3], [sflag:$0x1] =	stream.indirect_vreg.gather [hbm4b:s13+s4], $0x80, v2, vm0, $0xb8;
	[tilespmem:$0x1A000] =	vst v63  }
0x3d: {  	s5 =	simm.s32 $0x6800  }
0x3e: {  	[tilespmem:s5], [sflag:$0x1] =	stream.indirect_vreg.gather [hbm4b:s14+s4], $0x80, v2, vm0, $0xb8;
	[tilespmem:$0x1A000] =	vst v63  }
0x3f: {  	s22 =	simm.s32 $0x7000  }
0x40: {  	[tilespmem:s22], [sflag:$0x1] =	stream.indirect_vreg.gather [hbm4b:s15+s4], $0x80, v2, vm0, $0xb8;
	[tilespmem:$0x1A000] =	vst v63  }
0x41: {  	s23 =	simm.s32 $0x7800  }
0x42: {  	[tilespmem:s23], [sflag:$0x1] =	stream.indirect_vreg.gather [hbm4b:s16+s4], $0x80, v2, vm0, $0xb8;
	[tilespmem:$0x1A000] =	vst v63  }
0x43: {  	s2 =	simm.s32 $0x8000  }
0x44: {  	[tilespmem:s2], [sflag:$0x1] =	stream.indirect_vreg.gather [hbm4b:s17+s4], $0x80, v2, vm0, $0xb8;
	[tilespmem:$0x1A000] =	vst v63  }
0x45: {  	s3 =	simm.s32 $0x8800  }
0x46: {  	[tilespmem:s3], [sflag:$0x1] =	stream.indirect_vreg.gather [hbm4b:s18+s4], $0x80, v2, vm0, $0xb8;
	[tilespmem:$0x1A000] =	vst v63  }
0x47: {  	s5 =	simm.s32 $0x9000  }
0x48: {  	[tilespmem:s5], [sflag:$0x1] =	stream.indirect_vreg.gather [hbm4b:s19+s4], $0x80, v2, vm0, $0xb8;
	[tilespmem:$0x1A000] =	vst v63  }
0x49: {  	s22 =	simm.s32 $0x9800  }
0x4a: {  	[tilespmem:s22], [sflag:$0x1] =	stream.indirect_vreg.gather [hbm4b:s20+s4], $0x80, v2, vm0, $0xb8;
	[tilespmem:$0x1A000] =	vst v63  }
0x4b: {  	v2 =	vld.msk [tilespmem:$0x80], $0xf;
	_ =	sdelay $0x4  }
0x4c: {  	v3 =	vshll.u32 v2, $0x6  }
0x4d: {  	v2 =	vand.u32 $0x7, v2;
	v3 =	vand.u32 $0xFFFFFE00, v3  }
0x4e: {  	v2 =	vor.u32 v2, v3  }
0x4f: {  	v2 =	vperm.xlane v2, v0;
	_ =	sdelay $0x1  }
0x50: {  	v2 =	vadd.s32 v1, v2;
	_ =	sdelay $0x3  }
0x51: {  	s23 =	simm.s32 $0xA000  }
0x52: {  	[tilespmem:s23], [sflag:$0x2] =	stream.indirect_vreg.gather [hbm4b:s1+s4], $0x80, v2, vm0, $0xb8;
	[tilespmem:$0x1A000] =	vst v63  }
0x53: {  	s2 =	simm.s32 $0xA800  }
0x54: {  	[tilespmem:s2], [sflag:$0x2] =	stream.indirect_vreg.gather [hbm4b:s6+s4], $0x80, v2, vm0, $0xb8;
	[tilespmem:$0x1A000] =	vst v63  }
0x55: {  	s3 =	simm.s32 $0xB000  }
0x56: {  	[tilespmem:s3], [sflag:$0x2] =	stream.indirect_vreg.gather [hbm4b:s7+s4], $0x80, v2, vm0, $0xb8;
	[tilespmem:$0x1A000] =	vst v63  }
0x57: {  	s5 =	simm.s32 $0xB800  }
0x58: {  	[tilespmem:s5], [sflag:$0x2] =	stream.indirect_vreg.gather [hbm4b:s8+s4], $0x80, v2, vm0, $0xb8;
	[tilespmem:$0x1A000] =	vst v63  }
0x59: {  	s22 =	simm.s32 $0xC000  }
0x5a: {  	[tilespmem:s22], [sflag:$0x2] =	stream.indirect_vreg.gather [hbm4b:s9+s4], $0x80, v2, vm0, $0xb8;
	[tilespmem:$0x1A000] =	vst v63  }
0x5b: {  	s23 =	simm.s32 $0xC800  }
0x5c: {  	[tilespmem:s23], [sflag:$0x2] =	stream.indirect_vreg.gather [hbm4b:s10+s4], $0x80, v2, vm0, $0xb8;
	[tilespmem:$0x1A000] =	vst v63  }
0x5d: {  	s2 =	simm.s32 $0xD000  }
0x5e: {  	[tilespmem:s2], [sflag:$0x2] =	stream.indirect_vreg.gather [hbm4b:s11+s4], $0x80, v2, vm0, $0xb8;
	[tilespmem:$0x1A000] =	vst v63  }
0x5f: {  	s3 =	simm.s32 $0xD800  }
0x60: {  	[tilespmem:s3], [sflag:$0x2] =	stream.indirect_vreg.gather [hbm4b:s12+s4], $0x80, v2, vm0, $0xb8;
	[tilespmem:$0x1A000] =	vst v63  }
0x61: {  	s5 =	simm.s32 $0xE000  }
0x62: {  	[tilespmem:s5], [sflag:$0x2] =	stream.indirect_vreg.gather [hbm4b:s13+s4], $0x80, v2, vm0, $0xb8;
	[tilespmem:$0x1A000] =	vst v63  }
0x63: {  	s22 =	simm.s32 $0xE800  }
0x64: {  	[tilespmem:s22], [sflag:$0x2] =	stream.indirect_vreg.gather [hbm4b:s14+s4], $0x80, v2, vm0, $0xb8;
	[tilespmem:$0x1A000] =	vst v63  }
0x65: {  	s23 =	simm.s32 $0xF000  }
0x66: {  	[tilespmem:s23], [sflag:$0x2] =	stream.indirect_vreg.gather [hbm4b:s15+s4], $0x80, v2, vm0, $0xb8;
	[tilespmem:$0x1A000] =	vst v63  }
0x67: {  	s2 =	simm.s32 $0xF800  }
0x68: {  	[tilespmem:s2], [sflag:$0x2] =	stream.indirect_vreg.gather [hbm4b:s16+s4], $0x80, v2, vm0, $0xb8;
	[tilespmem:$0x1A000] =	vst v63  }
0x69: {  	s3 =	simm.s32 $0x10000  }
0x6a: {  	[tilespmem:s3], [sflag:$0x2] =	stream.indirect_vreg.gather [hbm4b:s17+s4], $0x80, v2, vm0, $0xb8;
	[tilespmem:$0x1A000] =	vst v63  }
0x6b: {  	s29 =	simm.s32 $0x0;
	s5 =	simm.s32 $0x10800  }
0x6c: {  	[tilespmem:s5], [sflag:$0x2] =	stream.indirect_vreg.gather [hbm4b:s18+s4], $0x80, v2, vm0, $0xb8;
	[tilespmem:$0x1A000] =	vst v63  }
0x6d: {  	s30 =	simm.s32 $0x0;
	s31 =	simm.s32 $0x0;
	s22 =	simm.s32 $0x11000  }
0x6e: {  	[tilespmem:s22], [sflag:$0x2] =	stream.indirect_vreg.gather [hbm4b:s19+s4], $0x80, v2, vm0, $0xb8;
	[tilespmem:$0x1A000] =	vst v63  }
0x6f: {  	s23 =	simm.s32 $0x11800;
	s22 =	smov.u32 s1;
	s1 =	simm.s32 $0x12000  }
0x70: {  	[tilespmem:s23], [sflag:$0x2] =	stream.indirect_vreg.gather [hbm4b:s20+s4], $0x80, v2, vm0, $0xb8;
	[tilespmem:$0x1A000] =	vst v63  }
.LBB2_2:
0x71: {  	s0 =	simm.s32 $0x1  }
0x72: {  	_ =	swait.ge [sflag:s0], $0x8000  }
0x73: {  	[sflag:s0] =	ssyncset.done $0x0  }
0x74: {  	s5 =	sshra.s32 s29, $0x2;
	[sflag:s0] =	ssyncadd.s32 $0xFFFF8000  }
0x75: {  	v2 =	vld.msk [tilespmem:s5+$0x100], $0xf;
	_ =	sdelay $0x4  }
0x76: {  	v3 =	vshll.u32 v2, $0x6  }
0x77: {  	v2 =	vand.u32 $0x7, v2;
	v3 =	vand.u32 $0xFFFFFE00, v3  }
0x78: {  	v2 =	vor.u32 v2, v3  }
0x79: {  	v2 =	vperm.xlane v2, v0;
	_ =	sdelay $0x1  }
0x7a: {  	v2 =	vadd.s32 v1, v2;
	_ =	sdelay $0x3  }
0x7b: {  	s2 =	rddreg [dreg:$0x5]  }
0x7c: {  	[tilespmem:s1], [sflag:$0x3] =	stream.indirect_vreg.gather [hbm4b:s22+s4], $0x80, v2, vm0, $0xb8;
	[tilespmem:$0x1A000] =	vst v63  }
0x7d: {  	s23 =	rddreg [dreg:$0x6]  }
0x7e: {  	[tilespmem:s2], [sflag:$0x3] =	stream.indirect_vreg.gather [hbm4b:s6+s4], $0x80, v2, vm0, $0xb8;
	[tilespmem:$0x1A000] =	vst v63  }
0x7f: {  	s3 =	rddreg [dreg:$0x8]  }
0x80: {  	[tilespmem:s23], [sflag:$0x3] =	stream.indirect_vreg.gather [hbm4b:s7+s4], $0x80, v2, vm0, $0xb8;
	[tilespmem:$0x1A000] =	vst v63  }
0x81: {  	s0 =	rddreg [dreg:$0x7]  }
0x82: {  	[tilespmem:s0], [sflag:$0x3] =	stream.indirect_vreg.gather [hbm4b:s8+s4], $0x80, v2, vm0, $0xb8;
	[tilespmem:$0x1A000] =	vst v63  }
0x83: {  	s1 =	smov.u32 s25;
	s25 =	rddreg [dreg:$0x13]  }
0x84: {  	[tilespmem:s3], [sflag:$0x3] =	stream.indirect_vreg.gather [hbm4b:s9+s4], $0x80, v2, vm0, $0xb8;
	[tilespmem:$0x1A000] =	vst v63  }
0x85: {  	s23 =	rddreg [dreg:$0x9]  }
0x86: {  	[tilespmem:s23], [sflag:$0x3] =	stream.indirect_vreg.gather [hbm4b:s10+s4], $0x80, v2, vm0, $0xb8;
	[tilespmem:$0x1A000] =	vst v63  }
0x87: {  	s0 =	rddreg [dreg:$0xa]  }
0x88: {  	[tilespmem:s0], [sflag:$0x3] =	stream.indirect_vreg.gather [hbm4b:s11+s4], $0x80, v2, vm0, $0xb8;
	[tilespmem:$0x1A000] =	vst v63  }
0x89: {  	s3 =	rddreg [dreg:$0xb]  }
0x8a: {  	[tilespmem:s3], [sflag:$0x3] =	stream.indirect_vreg.gather [hbm4b:s12+s4], $0x80, v2, vm0, $0xb8;
	[tilespmem:$0x1A000] =	vst v63  }
0x8b: {  	s23 =	rddreg [dreg:$0xc]  }
0x8c: {  	[tilespmem:s23], [sflag:$0x3] =	stream.indirect_vreg.gather [hbm4b:s13+s4], $0x80, v2, vm0, $0xb8;
	[tilespmem:$0x1A000] =	vst v63  }
0x8d: {  	s0 =	rddreg [dreg:$0xd]  }
0x8e: {  	[tilespmem:s0], [sflag:$0x3] =	stream.indirect_vreg.gather [hbm4b:s14+s4], $0x80, v2, vm0, $0xb8;
	[tilespmem:$0x1A000] =	vst v63  }
0x8f: {  	s3 =	rddreg [dreg:$0xe]  }
0x90: {  	[tilespmem:s3], [sflag:$0x3] =	stream.indirect_vreg.gather [hbm4b:s15+s4], $0x80, v2, vm0, $0xb8;
	[tilespmem:$0x1A000] =	vst v63  }
0x91: {  	s23 =	rddreg [dreg:$0xf]  }
0x92: {  	[tilespmem:s23], [sflag:$0x3] =	stream.indirect_vreg.gather [hbm4b:s16+s4], $0x80, v2, vm0, $0xb8;
	[tilespmem:$0x1A000] =	vst v63  }
0x93: {  	s0 =	rddreg [dreg:$0x10]  }
0x94: {  	[tilespmem:s0], [sflag:$0x3] =	stream.indirect_vreg.gather [hbm4b:s17+s4], $0x80, v2, vm0, $0xb8;
	[tilespmem:$0x1A000] =	vst v63  }
0x95: {  	s3 =	rddreg [dreg:$0x11]  }
0x96: {  	[tilespmem:s3], [sflag:$0x3] =	stream.indirect_vreg.gather [hbm4b:s18+s4], $0x80, v2, vm0, $0xb8;
	[tilespmem:$0x1A000] =	vst v63  }
0x97: {  	s23 =	rddreg [dreg:$0x12]  }
0x98: {  	[tilespmem:s23], [sflag:$0x3] =	stream.indirect_vreg.gather [hbm4b:s19+s4], $0x80, v2, vm0, $0xb8;
	[tilespmem:$0x1A000] =	vst v63  }
0x99: {  	s0 =	rddreg [dreg:$0x4]  }
0x9a: {  	[tilespmem:s25], [sflag:$0x3] =	stream.indirect_vreg.gather [hbm4b:s20+s4], $0x80, v2, vm0, $0xb8;
	[tilespmem:$0x1A000] =	vst v63  }
0x9b: {  	s25 =	sadd.s32 s31, s0  }
0x9c: {  	s3 =	sand.u32 $0x1FF0000, s25  }
0x9d: {  	s2 =	sand.u32 $0x200, s30;
	s3 =	sadd.s32 s21, s3  }
0x9e: {  	s3 =	sor.u32 s2, s3  }
0x9f: {  	s3 =	sshrl.u32 s3, $0x3  }
0xa0: {  	s0 =	simm.s32 $0x2000;
	s3 =	sadd.s32 s1, s3  }
0xa1: {  	[hbm4b:s3+s26] =	stream.strided.scatter [tilespmem:s0], [sflag:$0x4], $0x8000, s28, s26, $0x38;
	[tilespmem:$0x1A000] =	vst v63  }
0xa2: {  	_ =	swait.ge [sflag:s24], $0x8000  }
0xa3: {  	[sflag:s24] =	ssyncset.done $0x0  }
0xa4: {  	s23 =	simm.s32 $0x2;
	[sflag:s24] =	ssyncadd.s32 $0xFFFF8000  }
0xa5: {  	_ =	swait.ge [sflag:s23], $0x8000  }
0xa6: {  	[sflag:s23] =	ssyncset.done $0x0  }
0xa7: {  	[sflag:s23] =	ssyncadd.s32 $0xFFFF8000  }
0xa8: {  	v2 =	vld.msk [tilespmem:s5+$0x180], $0xf;
	_ =	sdelay $0x4  }
0xa9: {  	v3 =	vshll.u32 v2, $0x6  }
0xaa: {  	v2 =	vand.u32 $0x7, v2;
	v3 =	vand.u32 $0xFFFFFE00, v3  }
0xab: {  	v2 =	vor.u32 v2, v3  }
0xac: {  	v2 =	vperm.xlane v2, v0;
	_ =	sdelay $0x1  }
0xad: {  	v2 =	vadd.s32 v1, v2;
	_ =	sdelay $0x4  }
0xae: {  	[tilespmem:s0], [sflag:$0x1] =	stream.indirect_vreg.gather [hbm4b:s22+s4], $0x80, v2, vm0, $0xb8;
	[tilespmem:$0x1A000] =	vst v63  }
0xaf: {  	s0 =	simm.s32 $0x2800  }
0xb0: {  	[tilespmem:s0], [sflag:$0x1] =	stream.indirect_vreg.gather [hbm4b:s6+s4], $0x80, v2, vm0, $0xb8;
	[tilespmem:$0x1A000] =	vst v63  }
0xb1: {  	s5 =	simm.s32 $0x3000  }
0xb2: {  	[tilespmem:s5], [sflag:$0x1] =	stream.indirect_vreg.gather [hbm4b:s7+s4], $0x80, v2, vm0, $0xb8;
	[tilespmem:$0x1A000] =	vst v63  }
0xb3: {  	s5 =	simm.s32 $0x3800  }
0xb4: {  	[tilespmem:s5], [sflag:$0x1] =	stream.indirect_vreg.gather [hbm4b:s8+s4], $0x80, v2, vm0, $0xb8;
	[tilespmem:$0x1A000] =	vst v63  }
0xb5: {  	s5 =	simm.s32 $0x4000  }
0xb6: {  	[tilespmem:s5], [sflag:$0x1] =	stream.indirect_vreg.gather [hbm4b:s9+s4], $0x80, v2, vm0, $0xb8;
	[tilespmem:$0x1A000] =	vst v63  }
0xb7: {  	s5 =	simm.s32 $0x4800  }
0xb8: {  	[tilespmem:s5], [sflag:$0x1] =	stream.indirect_vreg.gather [hbm4b:s10+s4], $0x80, v2, vm0, $0xb8;
	[tilespmem:$0x1A000] =	vst v63  }
0xb9: {  	s5 =	simm.s32 $0x5000  }
0xba: {  	[tilespmem:s5], [sflag:$0x1] =	stream.indirect_vreg.gather [hbm4b:s11+s4], $0x80, v2, vm0, $0xb8;
	[tilespmem:$0x1A000] =	vst v63  }
0xbb: {  	s5 =	simm.s32 $0x5800  }
0xbc: {  	[tilespmem:s5], [sflag:$0x1] =	stream.indirect_vreg.gather [hbm4b:s12+s4], $0x80, v2, vm0, $0xb8;
	[tilespmem:$0x1A000] =	vst v63  }
0xbd: {  	s5 =	simm.s32 $0x6000  }
0xbe: {  	[tilespmem:s5], [sflag:$0x1] =	stream.indirect_vreg.gather [hbm4b:s13+s4], $0x80, v2, vm0, $0xb8;
	[tilespmem:$0x1A000] =	vst v63  }
0xbf: {  	s5 =	simm.s32 $0x6800  }
0xc0: {  	[tilespmem:s5], [sflag:$0x1] =	stream.indirect_vreg.gather [hbm4b:s14+s4], $0x80, v2, vm0, $0xb8;
	[tilespmem:$0x1A000] =	vst v63  }
0xc1: {  	s5 =	simm.s32 $0x7000  }
0xc2: {  	[tilespmem:s5], [sflag:$0x1] =	stream.indirect_vreg.gather [hbm4b:s15+s4], $0x80, v2, vm0, $0xb8;
	[tilespmem:$0x1A000] =	vst v63  }
0xc3: {  	s5 =	simm.s32 $0x7800  }
0xc4: {  	[tilespmem:s5], [sflag:$0x1] =	stream.indirect_vreg.gather [hbm4b:s16+s4], $0x80, v2, vm0, $0xb8;
	[tilespmem:$0x1A000] =	vst v63  }
0xc5: {  	s5 =	simm.s32 $0x8000  }
0xc6: {  	[tilespmem:s5], [sflag:$0x1] =	stream.indirect_vreg.gather [hbm4b:s17+s4], $0x80, v2, vm0, $0xb8;
	[tilespmem:$0x1A000] =	vst v63  }
0xc7: {  	s5 =	simm.s32 $0x8800  }
0xc8: {  	[tilespmem:s5], [sflag:$0x1] =	stream.indirect_vreg.gather [hbm4b:s18+s4], $0x80, v2, vm0, $0xb8;
	[tilespmem:$0x1A000] =	vst v63  }
0xc9: {  	s5 =	simm.s32 $0x9000  }
0xca: {  	[tilespmem:s5], [sflag:$0x1] =	stream.indirect_vreg.gather [hbm4b:s19+s4], $0x80, v2, vm0, $0xb8;
	[tilespmem:$0x1A000] =	vst v63  }
0xcb: {  	s5 =	simm.s32 $0x9800  }
0xcc: {  	[tilespmem:s5], [sflag:$0x1] =	stream.indirect_vreg.gather [hbm4b:s20+s4], $0x80, v2, vm0, $0xb8;
	[tilespmem:$0x1A000] =	vst v63  }
0xcd: {  	s5 =	sadd.s32 $0x8000, s25  }
0xce: {  	s3 =	sand.u32 $0x1FF0000, s5;
	s5 =	sxor.u32 $0xFFFFFFFF, s29  }
0xcf: {  	s3 =	sadd.s32 s21, s3;
	s5 =	sand.u32 $0x200, s5  }
0xd0: {  	s3 =	sor.u32 s5, s3  }
0xd1: {  	s3 =	sshrl.u32 s3, $0x3  }
0xd2: {  	s5 =	simm.s32 $0xA000;
	s3 =	sadd.s32 s1, s3  }
0xd3: {  	[hbm4b:s3+s26] =	stream.strided.scatter [tilespmem:s5], [sflag:$0x4], $0x8000, s28, s26, $0x38;
	[tilespmem:$0x1A000] =	vst v63  }
0xd4: {  	_ =	swait.ge [sflag:s24], $0x8000  }
0xd5: {  	[sflag:s24] =	ssyncset.done $0x0  }
0xd6: {  	s5 =	simm.s32 $0x3;
	[sflag:s24] =	ssyncadd.s32 $0xFFFF8000  }
0xd7: {  	_ =	swait.ge [sflag:s5], $0x8000  }
0xd8: {  	p0 =	seq.s32 s31, $0x1E0000;
	[sflag:s5] =	ssyncset.done $0x0  }
0xd9: {  	s3 =	sshra.s32 @!p0 s29, $0x2;
	[sflag:s5] =	ssyncadd.s32 $0xFFFF8000  }
0xda: {  	v2 =	vld.msk @!p0 [tilespmem:s3+$0x200], $0xf;
	_ =	sdelay $0x4  }
0xdb: {  	v3 =	vshll.u32 @!p0 v2, $0x6  }
0xdc: {  	v4 =	vlaneseq.u32 @!p0;
	v2 =	vand.u32 @!p0 $0x7, v2;
	v3 =	vand.u32 @!p0 $0xFFFFFE00, v3  }
0xdd: {  	v2 =	vor.u32 @!p0 v2, v3;
	v3 =	vand.u32 @!p0 $0x3, v4;
	v4 =	vshrl.u32 @!p0 v4, $0x2  }
0xde: {  	v2 =	vperm.xlane @!p0 v2, v3;
	v3 =	vmul.u32 @!p0 $0x8, v4;
	_ =	sdelay $0x1  }
0xdf: {  	v2 =	vadd.s32 @!p0 v3, v2;
	_ =	sdelay $0x3  }
0xe0: {  	vm1 =	vmmov @!p0 $0xffff;
	s5 =	simm.s32 @!p0 $0xA000;
	s3 =	simm.s32 @!p0 $0x0  }
0xe1: {  	[tilespmem:s5], [sflag:$0x2] =	stream.indirect_vreg.gather @!p0 [hbm4b:s22+s3], $0x80, v2, vm1, $0xb8;
	[tilespmem:$0x1A000] =	vst v63  }
0xe2: {  	s5 =	simm.s32 @!p0 $0xA800  }
0xe3: {  	[tilespmem:s5], [sflag:$0x2] =	stream.indirect_vreg.gather @!p0 [hbm4b:s6+s3], $0x80, v2, vm1, $0xb8;
	[tilespmem:$0x1A000] =	vst v63  }
0xe4: {  	s5 =	simm.s32 @!p0 $0xB000  }
0xe5: {  	[tilespmem:s5], [sflag:$0x2] =	stream.indirect_vreg.gather @!p0 [hbm4b:s7+s3], $0x80, v2, vm1, $0xb8;
	[tilespmem:$0x1A000] =	vst v63  }
0xe6: {  	s5 =	simm.s32 @!p0 $0xB800  }
0xe7: {  	[tilespmem:s5], [sflag:$0x2] =	stream.indirect_vreg.gather @!p0 [hbm4b:s8+s3], $0x80, v2, vm1, $0xb8;
	[tilespmem:$0x1A000] =	vst v63  }
0xe8: {  	s5 =	simm.s32 @!p0 $0xC000  }
0xe9: {  	[tilespmem:s5], [sflag:$0x2] =	stream.indirect_vreg.gather @!p0 [hbm4b:s9+s3], $0x80, v2, vm1, $0xb8;
	[tilespmem:$0x1A000] =	vst v63  }
0xea: {  	s5 =	simm.s32 @!p0 $0xC800  }
0xeb: {  	[tilespmem:s5], [sflag:$0x2] =	stream.indirect_vreg.gather @!p0 [hbm4b:s10+s3], $0x80, v2, vm1, $0xb8;
	[tilespmem:$0x1A000] =	vst v63  }
0xec: {  	s5 =	simm.s32 @!p0 $0xD000  }
0xed: {  	[tilespmem:s5], [sflag:$0x2] =	stream.indirect_vreg.gather @!p0 [hbm4b:s11+s3], $0x80, v2, vm1, $0xb8;
	[tilespmem:$0x1A000] =	vst v63  }
0xee: {  	s5 =	simm.s32 @!p0 $0xD800  }
0xef: {  	[tilespmem:s5], [sflag:$0x2] =	stream.indirect_vreg.gather @!p0 [hbm4b:s12+s3], $0x80, v2, vm1, $0xb8;
	[tilespmem:$0x1A000] =	vst v63  }
0xf0: {  	s5 =	simm.s32 @!p0 $0xE000  }
0xf1: {  	[tilespmem:s5], [sflag:$0x2] =	stream.indirect_vreg.gather @!p0 [hbm4b:s13+s3], $0x80, v2, vm1, $0xb8;
	[tilespmem:$0x1A000] =	vst v63  }
0xf2: {  	s5 =	simm.s32 @!p0 $0xE800  }
0xf3: {  	[tilespmem:s5], [sflag:$0x2] =	stream.indirect_vreg.gather @!p0 [hbm4b:s14+s3], $0x80, v2, vm1, $0xb8;
	[tilespmem:$0x1A000] =	vst v63  }
0xf4: {  	s5 =	simm.s32 @!p0 $0xF000  }
0xf5: {  	[tilespmem:s5], [sflag:$0x2] =	stream.indirect_vreg.gather @!p0 [hbm4b:s15+s3], $0x80, v2, vm1, $0xb8;
	[tilespmem:$0x1A000] =	vst v63  }
0xf6: {  	s5 =	simm.s32 @!p0 $0xF800  }
0xf7: {  	[tilespmem:s5], [sflag:$0x2] =	stream.indirect_vreg.gather @!p0 [hbm4b:s16+s3], $0x80, v2, vm1, $0xb8;
	[tilespmem:$0x1A000] =	vst v63  }
0xf8: {  	s5 =	simm.s32 @!p0 $0x10000  }
0xf9: {  	[tilespmem:s5], [sflag:$0x2] =	stream.indirect_vreg.gather @!p0 [hbm4b:s17+s3], $0x80, v2, vm1, $0xb8;
	[tilespmem:$0x1A000] =	vst v63  }
0xfa: {  	s5 =	simm.s32 @!p0 $0x10800  }
0xfb: {  	[tilespmem:s5], [sflag:$0x2] =	stream.indirect_vreg.gather @!p0 [hbm4b:s18+s3], $0x80, v2, vm1, $0xb8;
	[tilespmem:$0x1A000] =	vst v63  }
0xfc: {  	s5 =	simm.s32 @!p0 $0x11000  }
0xfd: {  	[tilespmem:s5], [sflag:$0x2] =	stream.indirect_vreg.gather @!p0 [hbm4b:s19+s3], $0x80, v2, vm1, $0xb8;
	[tilespmem:$0x1A000] =	vst v63  }
0xfe: {  	s5 =	simm.s32 @!p0 $0x11800  }
0xff: {  	[tilespmem:s5], [sflag:$0x2] =	stream.indirect_vreg.gather @!p0 [hbm4b:s20+s3], $0x80, v2, vm1, $0xb8;
	[tilespmem:$0x1A000] =	vst v63  }
0x100: {  	s5 =	sadd.s32 $0x10000, s25  }
0x101: {  	s3 =	sand.u32 $0x1FF0000, s5  }
0x102: {  	s3 =	sadd.s32 s21, s3  }
0x103: {  	s31 =	sadd.s32 $0x18000, s31;
	s2 =	sor.u32 s2, s3  }
0x104: {  	s25 =	smov.u32 s1;
	p0 =	sne.s32 s31, $0x1F8000;
	s2 =	sshrl.u32 s2, $0x3  }
.Ltmp0:
0x105: {  	s1 =	simm.s32 $0x12000;
	s2 =	sadd.s32 s25, s2;
	(pc) =	sbr.rel @p0 .LBB2_2-.Ltmp0, $4  }
0x106: {  	[hbm4b:s2+s26] =	stream.strided.scatter [tilespmem:s1], [sflag:$0x4], $0x8000, s28, s26, $0x38;
	[tilespmem:$0x1A000] =	vst v63  }
0x107: {  	s30 =	sadd.s32 $0x200, s30;
	_ =	swait.ge [sflag:s24], $0x8000  }
0x108: {  	s23 =	simm.s32 $0x2000;
	s29 =	sadd.s32 $0x600, s29;
	[sflag:s24] =	ssyncset.done $0x0  }
0x109: {  	s5 =	simm.s32 $0x200;
	s3 =	simm.s32 $0x400;
	[sflag:s24] =	ssyncadd.s32 $0xFFFF8000  }
0x10a: {  	s1 =	simm.s32 $0x1  }
0x10b: {  	_ =	swait.ge [sflag:s1], $0x8000  }
0x10c: {  	[sflag:s1] =	ssyncset.done $0x0  }
0x10d: {  	s2 =	rddreg [dreg:$0x15];
	[sflag:s1] =	ssyncadd.s32 $0xFFFF8000  }
0x10e: {  	[hbm4b:s2+s5] =	stream.strided.scatter [tilespmem:s23], [sflag:$0x4], $0x8000, s3, s5, $0x38;
	[tilespmem:$0x1A000] =	vst v63  }
0x10f: {  	_ =	swait.ge [sflag:s24], $0x8000  }
0x110: {  	s2 =	rddreg [dreg:$0x17]  }
0x111: {  	s5 =	rddreg [dreg:$0x16];
	s2 =	sadd.s32 $0x1, s2  }
0x112: {  	p0 =	sne.s32 s2, s5  }
.Ltmp1:
0x113: {  	_ = 	snop;
	(pc) =	sbr.rel @p0 .LBB2_1-.Ltmp1, $4  }
0x114: {  	_ = 	snop  }
0x115: {  	s29 =	simm.s32 $0x4800;
	s30 =	simm.s32 $0x5000;
	s31 =	simm.s32 $0x5800  }
0x116: {  	s1 =	smov.u32 s22;
	s22 =	simm.s32 $0x4000;
	[sflag:s24] =	ssyncset.done $0x0  }
0x117: {  	s3 =	simm.s32 $0x3000;
	[sflag:s24] =	ssyncadd.s32 $0xFFFF8000;
	s5 =	simm.s32 $0x3800  }
0x118: {  	_ =	sfence.sel $0x180000  }
0x119: {  	[bflag:$0x0] =	sbarrier.arrive $0xFFFF  }
0x11a: {  	_ =	strace $0x9000004D  }
0x11b: {  	s0 =	stileid.u32;
	[bflag:$0x2] =	sbarrier.arrive $0xFFFF  }
0x11c: {  	p0 =	sne.s32 s0, $0x0;
	s0 =	rddreg [dreg:$0x3]  }
0x11d: {  	s0 =	sadd.s32 @!p0 $0x100000, s0  }
0x11e: {  	[sflag:s0] =	ssyncadd.tile.s32 @!p0 $0x1;
	_ =	shalt  }
.Lfunc_end2:
_tile_overlayer_lowered:
.L_overlay_start_2:
0x11f: {  	(tag) =	ssettag $0x2  }
0x120: {  	s0 =	rddreg [dreg:$0x0];
	s2 =	stileid.u32  }
0x121: {  	s1 =	rddreg [dreg:$0x1];
	p0 =	sne.s32 s2, $0x0  }
0x122: {  	s3 =	rddreg [dreg:$0x2];
	[bflag:$0x3] =	sbarrier.arrive $0xFFFF;
	s2 =	simm.s32 @!p0 $0x1C04  }
0x123: {  	[timem:s3], [sflag:s2] =	dma.local @!p0 [hbm:s0], s1  }
0x124: {  	s0 =	simm.s32 @!p0 $0x4  }
0x125: {  	_ =	swait.ge @!p0 [sflag:s0], s1  }
0x126: {  	s1 =	ssub.s32 @!p0 $0x0, s1;
	[sflag:s0] =	ssyncset.done @!p0 $0x0  }
0x127: {  	[sflag:s0] =	ssyncadd.s32 @!p0 s1  }
0x128: {  	[bflag:$0x3] =	sbarrier.arrive $0xFFFF  }
0x129: {  	_ =	shalt  }

</sc_bundles>
